<compile_context>
chip_gen: v7x
topology: tpu7x:2x2x1
jax: 0.10.2.dev20260603
libtpu: 0.0.44.dev20260713+nightly
codegen_flags: <defaults>
</compile_context>

<pallas_src>
import functools

import jax
import jax.numpy as jnp
from jax import lax
from jax.experimental import pallas as pl
from jax.experimental.pallas import tpu as pltpu
from jax.experimental.pallas import tpu_sc as plsc

N = 10000
E = 320000
D = 128

NC = 2
NS = 16
NW = NC * NS

EDGES_PER_W = E // NW
CHUNK = 125
NCHUNK = EDGES_PER_W // CHUNK
NBUF = 2
ROWS_PER_TILE = N // NS


def _sc_segment_partials(efeat, dst_idx3):
    mesh = plsc.VectorSubcoreMesh(core_axis_name="c", subcore_axis_name="s")

    @functools.partial(
        pl.kernel,
        out_type=(jax.ShapeDtypeStruct((NC, N, D), jnp.float32),
                  jax.ShapeDtypeStruct((E, D), jnp.float32)),
        mesh=mesh,
        compiler_params=pltpu.CompilerParams(use_tc_tiling_on_sc=False),
        scratch_types=[
            pltpu.VMEM((NCHUNK, CHUNK), jnp.int32),
            [pltpu.VMEM((CHUNK, D), jnp.float32) for _ in range(NBUF)],
            pltpu.VMEM_SHARED((N, D), jnp.float32),
            [pltpu.SemaphoreType.DMA for _ in range(NBUF)],
            [pltpu.SemaphoreType.DMA for _ in range(NBUF)],
        ],
    )
    def k(efeat_hbm, idx_hbm, out_hbm, eout_hbm, idx_v, ebufs, acc, sems, wsems):
        c = lax.axis_index("c")
        s = lax.axis_index("s")
        w = c * NS + s
        edge_base = w * EDGES_PER_W

        zeros16 = jnp.zeros((16,), jnp.float32)

        def zbody(i, _):
            for l in range(D // 16):
                ebufs[0][i, pl.ds(l * 16, 16)] = zeros16
            return 0

        lax.fori_loop(0, CHUNK, zbody, 0)
        for t in range(ROWS_PER_TILE // CHUNK):
            pltpu.sync_copy(ebufs[0], acc.at[pl.ds(s * ROWS_PER_TILE + t * CHUNK, CHUNK)])
        plsc.subcore_barrier()

        pltpu.sync_copy(idx_hbm.at[w], idx_v)

        def chunk_slice(j):
            return efeat_hbm.at[pl.ds(edge_base + j * CHUNK, CHUNK)]

        def out_slice(j):
            return eout_hbm.at[pl.ds(edge_base + j * CHUNK, CHUNK)]

        for b in range(NBUF):
            pltpu.async_copy(chunk_slice(b), ebufs[b], sems[b])

        def body(it, _):
            j0 = it * NBUF
            for b in range(NBUF):
                pltpu.make_async_copy(chunk_slice(j0 + b), ebufs[b], sems[b]).wait()
                pltpu.async_copy(ebufs[b], out_slice(j0 + b), wsems[b])
                pltpu.sync_copy(ebufs[b], acc.at[idx_v.at[j0 + b]], add=True)

                @pl.when(j0 + NBUF + b < NCHUNK)
                def _():
                    pltpu.make_async_copy(ebufs[b], out_slice(j0 + b), wsems[b]).wait()
                    pltpu.async_copy(chunk_slice(j0 + NBUF + b), ebufs[b], sems[b])

            return 0

        lax.fori_loop(0, NCHUNK // NBUF, body, 0)
        for b in range(NBUF):
            pltpu.make_async_copy(ebufs[b], out_slice(NCHUNK - NBUF + b), wsems[b]).wait()
        plsc.subcore_barrier()

        rows = pl.ds(s * ROWS_PER_TILE, ROWS_PER_TILE)
        pltpu.sync_copy(acc.at[rows], out_hbm.at[c, rows])

    return k(efeat, dst_idx3)


def _mlp_body(p_ref, nf_ref, w1a_ref, w1b_ref, b1_ref, w2_ref, b2_ref,
              sc_ref, bi_ref, out_ref):
    nf = nf_ref[...]
    agg = p_ref[0] + p_ref[1]
    x = (jnp.dot(agg, w1a_ref[...], preferred_element_type=jnp.float32)
         + jnp.dot(nf, w1b_ref[...], preferred_element_type=jnp.float32)
         + b1_ref[0])
    h = x * jax.nn.sigmoid(x)
    h = jnp.dot(h, w2_ref[...], preferred_element_type=jnp.float32) + b2_ref[0]
    mean = jnp.mean(h, axis=-1, keepdims=True)
    d = h - mean
    var = jnp.mean(d * d, axis=-1, keepdims=True)
    out_ref[...] = d * lax.rsqrt(var + 1e-5) * sc_ref[0] + bi_ref[0] + nf


def _tc_mlp(partials, nfeat, W1, b1, W2, b2, ln_scale, ln_bias):
    BLK = 1000
    grid = (N // BLK,)
    w1a = W1[:D]
    w1b = W1[D:]
    row2 = lambda a: a.reshape(1, D)
    return pl.pallas_call(
        _mlp_body,
        grid=grid,
        in_specs=[
            pl.BlockSpec((NC, BLK, D), lambda i: (0, i, 0)),
            pl.BlockSpec((BLK, D), lambda i: (i, 0)),
            pl.BlockSpec((D, D), lambda i: (0, 0)),
            pl.BlockSpec((D, D), lambda i: (0, 0)),
            pl.BlockSpec((1, D), lambda i: (0, 0)),
            pl.BlockSpec((D, D), lambda i: (0, 0)),
            pl.BlockSpec((1, D), lambda i: (0, 0)),
            pl.BlockSpec((1, D), lambda i: (0, 0)),
            pl.BlockSpec((1, D), lambda i: (0, 0)),
        ],
        out_specs=pl.BlockSpec((BLK, D), lambda i: (i, 0)),
        out_shape=jax.ShapeDtypeStruct((N, D), jnp.float32),
    )(partials, nfeat, w1a, w1b, row2(b1), W2, row2(b2),
      row2(ln_scale), row2(ln_bias))


@jax.jit
def kernel(efeat, nfeat, dst_idx, W1, b1, W2, b2, ln_scale, ln_bias):
    idx3 = dst_idx.astype(jnp.int32).reshape(NW, NCHUNK, CHUNK)
    partials, efeat_out = _sc_segment_partials(efeat, idx3)
    nfeat_new = _tc_mlp(partials, nfeat, W1, b1, W2, b2, ln_scale, ln_bias)
    return (efeat_out, nfeat_new)

# --- scband reference (transcript-rebuilt; emitter-appended) ---
"""Pipeline reference for scband-node-block-44564580663324 (READ-ONLY COPY).

The authoritative reference and input builder live on the scoring server;
editing this copy changes nothing except your own understanding.
"""

import jax, jax.numpy as jnp
import numpy as np

N = 10000
E = 320000
D = 128


def _layer_norm(x, scale, bias, eps=1e-5):
    mean = jnp.mean(x, axis=-1, keepdims=True)
    var = jnp.var(x, axis=-1, keepdims=True)
    return (x - mean) * jax.lax.rsqrt(var + eps) * scale + bias


def setup_inputs(seed: int = 0) -> dict:
    key = jax.random.key(seed)
    ks = jax.random.split(key, 8)
    efeat = jax.random.normal(ks[0], (E, D), dtype=jnp.float32)
    nfeat = jax.random.normal(ks[1], (N, D), dtype=jnp.float32)
    dst_idx = jax.random.randint(ks[2], (E,), 0, N, dtype=jnp.int64 if jax.config.jax_enable_x64 else jnp.int32)
    # MLP params: Linear(2D->D), SiLU, Linear(D->D), LayerNorm(D)
    W1 = jax.random.normal(ks[3], (2 * D, D), dtype=jnp.float32) * (1.0 / np.sqrt(2 * D))
    b1 = jnp.zeros((D,), dtype=jnp.float32)
    W2 = jax.random.normal(ks[4], (D, D), dtype=jnp.float32) * (1.0 / np.sqrt(D))
    b2 = jnp.zeros((D,), dtype=jnp.float32)
    ln_scale = jnp.ones((D,), dtype=jnp.float32)
    ln_bias = jnp.zeros((D,), dtype=jnp.float32)
    return {"efeat": efeat, "nfeat": nfeat, "dst_idx": dst_idx,
            "W1": W1, "b1": b1, "W2": W2, "b2": b2,
            "ln_scale": ln_scale, "ln_bias": ln_bias}


def reference(efeat, nfeat, dst_idx, W1, b1, W2, b2, ln_scale, ln_bias):
    # agg_concat (e2n): sum edge features into destination nodes, concat with node feats
    agg = jax.ops.segment_sum(efeat, dst_idx, num_segments=nfeat.shape[0])
    cat_feat = jnp.concatenate([agg, nfeat], axis=-1)
    # node MLP: Linear -> SiLU -> Linear -> LayerNorm
    h = jax.nn.silu(cat_feat @ W1 + b1)
    h = h @ W2 + b2
    h = _layer_norm(h, ln_scale, ln_bias)
    nfeat_new = h + nfeat
    return (efeat, nfeat_new)

if __name__ == "__main__":
    import jax
    _d = setup_inputs()
    print(jax.jit(kernel)(*tuple(_d.values())))

</pallas_src>

<mosaic_0001>
#map = affine_map<(d0, d1) -> (0, 0)>
#map1 = affine_map<(d0, d1) -> (0, 0, 0)>
module attributes {stable_mosaic.version = 14 : i64} {
  func.func @k(%arg0: i32, %arg1: i32, %arg2: memref<320000x128xf32, #tpu.memory_space<hbm>>, %arg3: memref<32x80x125xi32, #tpu.memory_space<hbm>>, %arg4: memref<2x10000x128xf32, #tpu.memory_space<hbm>>, %arg5: memref<320000x128xf32, #tpu.memory_space<hbm>>, %arg6: memref<80x125xi32, #tpu.memory_space<vmem>>, %arg7: memref<125x128xf32, #tpu.memory_space<vmem>>, %arg8: memref<125x128xf32, #tpu.memory_space<vmem>>, %arg9: memref<10000x128xf32, #tpu.memory_space<vmem_shared>>, %arg10: memref<!tpu.dma_semaphore, #tpu.memory_space<semaphore_mem>>, %arg11: memref<!tpu.dma_semaphore, #tpu.memory_space<semaphore_mem>>, %arg12: memref<!tpu.dma_semaphore, #tpu.memory_space<semaphore_mem>>, %arg13: memref<!tpu.dma_semaphore, #tpu.memory_space<semaphore_mem>>) attributes {dimension_semantics = [#tpu.dimension_semantics<core_parallel>, #tpu.dimension_semantics<subcore_parallel>], iteration_bounds = array<i64: 2, 16>, scalar_prefetch = 0 : i64, scratch_operands = 8 : i64, tpu.core_type = #tpu.core_type<sc_vector_subcore>, window_params = [{transform_indices = #map}, {transform_indices = #map1}, {transform_indices = #map1}, {transform_indices = #map}]} {
    %mul3A = arith.constant 16 : i32
    %mul3A_0 = arith.muli %arg0, %mul3A : i32
    %add3A = arith.addi %mul3A_0, %arg1 : i32
    %mul3A_1 = arith.constant 10000 : i32
    %mul3A_2 = arith.muli %add3A, %mul3A_1 : i32
    %broadcast_in_dim3A = arith.constant 0.000000e+00 : f32
    %broadcast_in_dim3A_3 = vector.broadcast %broadcast_in_dim3A : f32 to vector<16xf32>
    %scan3A = arith.constant 0 : i32
    %scan3A_4 = arith.constant 0 : i32
    %scan3A_5 = arith.constant 125 : i32
    %scan3A_6 = arith.addi %scan3A_4, %scan3A_5 : i32
    %scan3A_7 = arith.constant 1 : i32
    %scan3A_8 = scf.for %scan3A_62 = %scan3A_4 to %scan3A_6 step %scan3A_7 iter_args(%scan3A_63 = %scan3A) -> (i32)  : i32 {
      %swap3A = arith.index_cast %scan3A_62 : i32 to index
      %swap3A_64 = arith.constant 0 : index
      %swap3A_65 = tpu.vector_load %arg7[%swap3A, %swap3A_64] {strides = array<i32>} : memref<125x128xf32, #tpu.memory_space<vmem>>, vector<1x16xf32>,
      %swap3A_66 = vector.shape_cast %swap3A_65 : vector<1x16xf32> to vector<16xf32>
      %swap3A_67 = vector.shape_cast %broadcast_in_dim3A_3 : vector<16xf32> to vector<1x16xf32>
      tpu.vector_store %arg7[%swap3A, %swap3A_64], %swap3A_67 {strides = array<i32>} : memref<125x128xf32, #tpu.memory_space<vmem>>, vector<1x16xf32>,
      %swap3A_68 = arith.index_cast %scan3A_62 : i32 to index
      %swap3A_69 = arith.constant 16 : index
      %swap3A_70 = tpu.vector_load %arg7[%swap3A_68, %swap3A_69] {strides = array<i32>} : memref<125x128xf32, #tpu.memory_space<vmem>>, vector<1x16xf32>,
      %swap3A_71 = vector.shape_cast %swap3A_70 : vector<1x16xf32> to vector<16xf32>
      %swap3A_72 = vector.shape_cast %broadcast_in_dim3A_3 : vector<16xf32> to vector<1x16xf32>
      tpu.vector_store %arg7[%swap3A_68, %swap3A_69], %swap3A_72 {strides = array<i32>} : memref<125x128xf32, #tpu.memory_space<vmem>>, vector<1x16xf32>,
      %swap3A_73 = arith.index_cast %scan3A_62 : i32 to index
      %swap3A_74 = arith.constant 32 : index
      %swap3A_75 = tpu.vector_load %arg7[%swap3A_73, %swap3A_74] {strides = array<i32>} : memref<125x128xf32, #tpu.memory_space<vmem>>, vector<1x16xf32>,
      %swap3A_76 = vector.shape_cast %swap3A_75 : vector<1x16xf32> to vector<16xf32>
      %swap3A_77 = vector.shape_cast %broadcast_in_dim3A_3 : vector<16xf32> to vector<1x16xf32>
      tpu.vector_store %arg7[%swap3A_73, %swap3A_74], %swap3A_77 {strides = array<i32>} : memref<125x128xf32, #tpu.memory_space<vmem>>, vector<1x16xf32>,
      %swap3A_78 = arith.index_cast %scan3A_62 : i32 to index
      %swap3A_79 = arith.constant 48 : index
      %swap3A_80 = tpu.vector_load %arg7[%swap3A_78, %swap3A_79] {strides = array<i32>} : memref<125x128xf32, #tpu.memory_space<vmem>>, vector<1x16xf32>,
      %swap3A_81 = vector.shape_cast %swap3A_80 : vector<1x16xf32> to vector<16xf32>
      %swap3A_82 = vector.shape_cast %broadcast_in_dim3A_3 : vector<16xf32> to vector<1x16xf32>
      tpu.vector_store %arg7[%swap3A_78, %swap3A_79], %swap3A_82 {strides = array<i32>} : memref<125x128xf32, #tpu.memory_space<vmem>>, vector<1x16xf32>,
      %swap3A_83 = arith.index_cast %scan3A_62 : i32 to index
      %swap3A_84 = arith.constant 64 : index
      %swap3A_85 = tpu.vector_load %arg7[%swap3A_83, %swap3A_84] {strides = array<i32>} : memref<125x128xf32, #tpu.memory_space<vmem>>, vector<1x16xf32>,
      %swap3A_86 = vector.shape_cast %swap3A_85 : vector<1x16xf32> to vector<16xf32>
      %swap3A_87 = vector.shape_cast %broadcast_in_dim3A_3 : vector<16xf32> to vector<1x16xf32>
      tpu.vector_store %arg7[%swap3A_83, %swap3A_84], %swap3A_87 {strides = array<i32>} : memref<125x128xf32, #tpu.memory_space<vmem>>, vector<1x16xf32>,
      %swap3A_88 = arith.index_cast %scan3A_62 : i32 to index
      %swap3A_89 = arith.constant 80 : index
      %swap3A_90 = tpu.vector_load %arg7[%swap3A_88, %swap3A_89] {strides = array<i32>} : memref<125x128xf32, #tpu.memory_space<vmem>>, vector<1x16xf32>,
      %swap3A_91 = vector.shape_cast %swap3A_90 : vector<1x16xf32> to vector<16xf32>
      %swap3A_92 = vector.shape_cast %broadcast_in_dim3A_3 : vector<16xf32> to vector<1x16xf32>
      tpu.vector_store %arg7[%swap3A_88, %swap3A_89], %swap3A_92 {strides = array<i32>} : memref<125x128xf32, #tpu.memory_space<vmem>>, vector<1x16xf32>,
      %swap3A_93 = arith.index_cast %scan3A_62 : i32 to index
      %swap3A_94 = arith.constant 96 : index
      %swap3A_95 = tpu.vector_load %arg7[%swap3A_93, %swap3A_94] {strides = array<i32>} : memref<125x128xf32, #tpu.memory_space<vmem>>, vector<1x16xf32>,
      %swap3A_96 = vector.shape_cast %swap3A_95 : vector<1x16xf32> to vector<16xf32>
      %swap3A_97 = vector.shape_cast %broadcast_in_dim3A_3 : vector<16xf32> to vector<1x16xf32>
      tpu.vector_store %arg7[%swap3A_93, %swap3A_94], %swap3A_97 {strides = array<i32>} : memref<125x128xf32, #tpu.memory_space<vmem>>, vector<1x16xf32>,
      %swap3A_98 = arith.index_cast %scan3A_62 : i32 to index
      %swap3A_99 = arith.constant 112 : index
      %swap3A_100 = tpu.vector_load %arg7[%swap3A_98, %swap3A_99] {strides = array<i32>} : memref<125x128xf32, #tpu.memory_space<vmem>>, vector<1x16xf32>,
      %swap3A_101 = vector.shape_cast %swap3A_100 : vector<1x16xf32> to vector<16xf32>
      %swap3A_102 = vector.shape_cast %broadcast_in_dim3A_3 : vector<16xf32> to vector<1x16xf32>
      tpu.vector_store %arg7[%swap3A_98, %swap3A_99], %swap3A_102 {strides = array<i32>} : memref<125x128xf32, #tpu.memory_space<vmem>>, vector<1x16xf32>,
      %scan3A_103 = arith.constant 0 : i32
      scf.yield %scan3A_103 : i32
    }
    %scan3A_9 = arith.constant 125 : i32
    %mul3A_10 = arith.constant 625 : i32
    %mul3A_11 = arith.muli %arg1, %mul3A_10 : i32
    %add3A_12 = arith.constant 0 : i32
    %add3A_13 = arith.addi %mul3A_11, %add3A_12 : i32
    "tpu.region"() ({
      %run_scoped3A = tpu.sem_alloc : memref<!tpu.dma_semaphore, #tpu.memory_space<semaphore_mem>>
      %dma_start3A_62 = arith.constant 0 : i32
      %dma_start3A_63 = tpu.memref_slice %arg9[%add3A_13, %dma_start3A_62] : memref<10000x128xf32, #tpu.memory_space<vmem_shared>> -> memref<125x128xf32, #tpu.memory_space<vmem_shared>>
      %dma_start3A_64 = arith.constant 0 : i32
      %dma_start3A_65 = tpu.memref_slice %arg9[%add3A_13, %dma_start3A_64] : memref<10000x128xf32, #tpu.memory_space<vmem_shared>> -> memref<125x128xf32, #tpu.memory_space<vmem_shared>>
      tpu.enqueue_dma source(%arg7 : memref<125x128xf32, #tpu.memory_space<vmem>>) target(%dma_start3A_65 : memref<125x128xf32, #tpu.memory_space<vmem_shared>>) target_semaphore(%run_scoped3A : memref<!tpu.dma_semaphore, #tpu.memory_space<semaphore_mem>>)
      %dma_wait3A_66 = arith.constant 0 : i32
      %dma_wait3A_67 = tpu.memref_slice %arg9[%add3A_13, %dma_wait3A_66] : memref<10000x128xf32, #tpu.memory_space<vmem_shared>> -> memref<125x128xf32, #tpu.memory_space<vmem_shared>>
      %dma_wait3A_68 = arith.constant 0 : i32
      %dma_wait3A_69 = tpu.memref_slice %arg9[%add3A_13, %dma_wait3A_68] : memref<10000x128xf32, #tpu.memory_space<vmem_shared>> -> memref<125x128xf32, #tpu.memory_space<vmem_shared>>
      tpu.wait_dma2 semaphore(%run_scoped3A : memref<!tpu.dma_semaphore, #tpu.memory_space<semaphore_mem>>) src(%arg7 : memref<125x128xf32, #tpu.memory_space<vmem>>) dst(%dma_wait3A_69 : memref<125x128xf32, #tpu.memory_space<vmem_shared>>)
      tpu.yield
    }) : () -> ()
    %mul3A_14 = arith.constant 625 : i32
    %mul3A_15 = arith.muli %arg1, %mul3A_14 : i32
    %add3A_16 = arith.constant 125 : i32
    %add3A_17 = arith.addi %mul3A_15, %add3A_16 : i32
    "tpu.region"() ({
      %run_scoped3A = tpu.sem_alloc : memref<!tpu.dma_semaphore, #tpu.memory_space<semaphore_mem>>
      %dma_start3A_62 = arith.constant 0 : i32
      %dma_start3A_63 = tpu.memref_slice %arg9[%add3A_17, %dma_start3A_62] : memref<10000x128xf32, #tpu.memory_space<vmem_shared>> -> memref<125x128xf32, #tpu.memory_space<vmem_shared>>
      %dma_start3A_64 = arith.constant 0 : i32
      %dma_start3A_65 = tpu.memref_slice %arg9[%add3A_17, %dma_start3A_64] : memref<10000x128xf32, #tpu.memory_space<vmem_shared>> -> memref<125x128xf32, #tpu.memory_space<vmem_shared>>
      tpu.enqueue_dma source(%arg7 : memref<125x128xf32, #tpu.memory_space<vmem>>) target(%dma_start3A_65 : memref<125x128xf32, #tpu.memory_space<vmem_shared>>) target_semaphore(%run_scoped3A : memref<!tpu.dma_semaphore, #tpu.memory_space<semaphore_mem>>)
      %dma_wait3A_66 = arith.constant 0 : i32
      %dma_wait3A_67 = tpu.memref_slice %arg9[%add3A_17, %dma_wait3A_66] : memref<10000x128xf32, #tpu.memory_space<vmem_shared>> -> memref<125x128xf32, #tpu.memory_space<vmem_shared>>
      %dma_wait3A_68 = arith.constant 0 : i32
      %dma_wait3A_69 = tpu.memref_slice %arg9[%add3A_17, %dma_wait3A_68] : memref<10000x128xf32, #tpu.memory_space<vmem_shared>> -> memref<125x128xf32, #tpu.memory_space<vmem_shared>>
      tpu.wait_dma2 semaphore(%run_scoped3A : memref<!tpu.dma_semaphore, #tpu.memory_space<semaphore_mem>>) src(%arg7 : memref<125x128xf32, #tpu.memory_space<vmem>>) dst(%dma_wait3A_69 : memref<125x128xf32, #tpu.memory_space<vmem_shared>>)
      tpu.yield
    }) : () -> ()
    %mul3A_18 = arith.constant 625 : i32
    %mul3A_19 = arith.muli %arg1, %mul3A_18 : i32
    %add3A_20 = arith.constant 250 : i32
    %add3A_21 = arith.addi %mul3A_19, %add3A_20 : i32
    "tpu.region"() ({
      %run_scoped3A = tpu.sem_alloc : memref<!tpu.dma_semaphore, #tpu.memory_space<semaphore_mem>>
      %dma_start3A_62 = arith.constant 0 : i32
      %dma_start3A_63 = tpu.memref_slice %arg9[%add3A_21, %dma_start3A_62] : memref<10000x128xf32, #tpu.memory_space<vmem_shared>> -> memref<125x128xf32, #tpu.memory_space<vmem_shared>>
      %dma_start3A_64 = arith.constant 0 : i32
      %dma_start3A_65 = tpu.memref_slice %arg9[%add3A_21, %dma_start3A_64] : memref<10000x128xf32, #tpu.memory_space<vmem_shared>> -> memref<125x128xf32, #tpu.memory_space<vmem_shared>>
      tpu.enqueue_dma source(%arg7 : memref<125x128xf32, #tpu.memory_space<vmem>>) target(%dma_start3A_65 : memref<125x128xf32, #tpu.memory_space<vmem_shared>>) target_semaphore(%run_scoped3A : memref<!tpu.dma_semaphore, #tpu.memory_space<semaphore_mem>>)
      %dma_wait3A_66 = arith.constant 0 : i32
      %dma_wait3A_67 = tpu.memref_slice %arg9[%add3A_21, %dma_wait3A_66] : memref<10000x128xf32, #tpu.memory_space<vmem_shared>> -> memref<125x128xf32, #tpu.memory_space<vmem_shared>>
      %dma_wait3A_68 = arith.constant 0 : i32
      %dma_wait3A_69 = tpu.memref_slice %arg9[%add3A_21, %dma_wait3A_68] : memref<10000x128xf32, #tpu.memory_space<vmem_shared>> -> memref<125x128xf32, #tpu.memory_space<vmem_shared>>
      tpu.wait_dma2 semaphore(%run_scoped3A : memref<!tpu.dma_semaphore, #tpu.memory_space<semaphore_mem>>) src(%arg7 : memref<125x128xf32, #tpu.memory_space<vmem>>) dst(%dma_wait3A_69 : memref<125x128xf32, #tpu.memory_space<vmem_shared>>)
      tpu.yield
    }) : () -> ()
    %mul3A_22 = arith.constant 625 : i32
    %mul3A_23 = arith.muli %arg1, %mul3A_22 : i32
    %add3A_24 = arith.constant 375 : i32
    %add3A_25 = arith.addi %mul3A_23, %add3A_24 : i32
    "tpu.region"() ({
      %run_scoped3A = tpu.sem_alloc : memref<!tpu.dma_semaphore, #tpu.memory_space<semaphore_mem>>
      %dma_start3A_62 = arith.constant 0 : i32
      %dma_start3A_63 = tpu.memref_slice %arg9[%add3A_25, %dma_start3A_62] : memref<10000x128xf32, #tpu.memory_space<vmem_shared>> -> memref<125x128xf32, #tpu.memory_space<vmem_shared>>
      %dma_start3A_64 = arith.constant 0 : i32
      %dma_start3A_65 = tpu.memref_slice %arg9[%add3A_25, %dma_start3A_64] : memref<10000x128xf32, #tpu.memory_space<vmem_shared>> -> memref<125x128xf32, #tpu.memory_space<vmem_shared>>
      tpu.enqueue_dma source(%arg7 : memref<125x128xf32, #tpu.memory_space<vmem>>) target(%dma_start3A_65 : memref<125x128xf32, #tpu.memory_space<vmem_shared>>) target_semaphore(%run_scoped3A : memref<!tpu.dma_semaphore, #tpu.memory_space<semaphore_mem>>)
      %dma_wait3A_66 = arith.constant 0 : i32
      %dma_wait3A_67 = tpu.memref_slice %arg9[%add3A_25, %dma_wait3A_66] : memref<10000x128xf32, #tpu.memory_space<vmem_shared>> -> memref<125x128xf32, #tpu.memory_space<vmem_shared>>
      %dma_wait3A_68 = arith.constant 0 : i32
      %dma_wait3A_69 = tpu.memref_slice %arg9[%add3A_25, %dma_wait3A_68] : memref<10000x128xf32, #tpu.memory_space<vmem_shared>> -> memref<125x128xf32, #tpu.memory_space<vmem_shared>>
      tpu.wait_dma2 semaphore(%run_scoped3A : memref<!tpu.dma_semaphore, #tpu.memory_space<semaphore_mem>>) src(%arg7 : memref<125x128xf32, #tpu.memory_space<vmem>>) dst(%dma_wait3A_69 : memref<125x128xf32, #tpu.memory_space<vmem_shared>>)
      tpu.yield
    }) : () -> ()
    %mul3A_26 = arith.constant 625 : i32
    %mul3A_27 = arith.muli %arg1, %mul3A_26 : i32
    %add3A_28 = arith.constant 500 : i32
    %add3A_29 = arith.addi %mul3A_27, %add3A_28 : i32
    "tpu.region"() ({
      %run_scoped3A = tpu.sem_alloc : memref<!tpu.dma_semaphore, #tpu.memory_space<semaphore_mem>>
      %dma_start3A_62 = arith.constant 0 : i32
      %dma_start3A_63 = tpu.memref_slice %arg9[%add3A_29, %dma_start3A_62] : memref<10000x128xf32, #tpu.memory_space<vmem_shared>> -> memref<125x128xf32, #tpu.memory_space<vmem_shared>>
      %dma_start3A_64 = arith.constant 0 : i32
      %dma_start3A_65 = tpu.memref_slice %arg9[%add3A_29, %dma_start3A_64] : memref<10000x128xf32, #tpu.memory_space<vmem_shared>> -> memref<125x128xf32, #tpu.memory_space<vmem_shared>>
      tpu.enqueue_dma source(%arg7 : memref<125x128xf32, #tpu.memory_space<vmem>>) target(%dma_start3A_65 : memref<125x128xf32, #tpu.memory_space<vmem_shared>>) target_semaphore(%run_scoped3A : memref<!tpu.dma_semaphore, #tpu.memory_space<semaphore_mem>>)
      %dma_wait3A_66 = arith.constant 0 : i32
      %dma_wait3A_67 = tpu.memref_slice %arg9[%add3A_29, %dma_wait3A_66] : memref<10000x128xf32, #tpu.memory_space<vmem_shared>> -> memref<125x128xf32, #tpu.memory_space<vmem_shared>>
      %dma_wait3A_68 = arith.constant 0 : i32
      %dma_wait3A_69 = tpu.memref_slice %arg9[%add3A_29, %dma_wait3A_68] : memref<10000x128xf32, #tpu.memory_space<vmem_shared>> -> memref<125x128xf32, #tpu.memory_space<vmem_shared>>
      tpu.wait_dma2 semaphore(%run_scoped3A : memref<!tpu.dma_semaphore, #tpu.memory_space<semaphore_mem>>) src(%arg7 : memref<125x128xf32, #tpu.memory_space<vmem>>) dst(%dma_wait3A_69 : memref<125x128xf32, #tpu.memory_space<vmem_shared>>)
      tpu.yield
    }) : () -> ()
    %barrier3A = arith.constant 0 : index
    tpu.barrier barrier_id(%barrier3A)
    "tpu.region"() ({
      %run_scoped3A = tpu.sem_alloc : memref<!tpu.dma_semaphore, #tpu.memory_space<semaphore_mem>>
      %dma_start3A_62 = arith.constant 0 : i32
      %dma_start3A_63 = arith.constant 0 : i32
      %dma_start3A_64 = tpu.memref_slice %arg3[%add3A, %dma_start3A_62, %dma_start3A_63] : memref<32x80x125xi32, #tpu.memory_space<hbm>> -> memref<1x80x125xi32, #tpu.memory_space<hbm>>
      %dma_start3A_65 = tpu.memref_squeeze %dma_start3A_64 : memref<1x80x125xi32, #tpu.memory_space<hbm>> -> memref<80x125xi32, #tpu.memory_space<hbm>>
      %dma_start3A_66 = arith.constant 0 : i32
      %dma_start3A_67 = arith.constant 0 : i32
      %dma_start3A_68 = tpu.memref_slice %arg3[%add3A, %dma_start3A_66, %dma_start3A_67] : memref<32x80x125xi32, #tpu.memory_space<hbm>> -> memref<1x80x125xi32, #tpu.memory_space<hbm>>
      %dma_start3A_69 = tpu.memref_squeeze %dma_start3A_68 : memref<1x80x125xi32, #tpu.memory_space<hbm>> -> memref<80x125xi32, #tpu.memory_space<hbm>>
      tpu.enqueue_dma source(%dma_start3A_69 : memref<80x125xi32, #tpu.memory_space<hbm>>) target(%arg6 : memref<80x125xi32, #tpu.memory_space<vmem>>) target_semaphore(%run_scoped3A : memref<!tpu.dma_semaphore, #tpu.memory_space<semaphore_mem>>)
      %dma_wait3A_70 = arith.constant 0 : i32
      %dma_wait3A_71 = arith.constant 0 : i32
      %dma_wait3A_72 = tpu.memref_slice %arg3[%add3A, %dma_wait3A_70, %dma_wait3A_71] : memref<32x80x125xi32, #tpu.memory_space<hbm>> -> memref<1x80x125xi32, #tpu.memory_space<hbm>>
      %dma_wait3A_73 = tpu.memref_squeeze %dma_wait3A_72 : memref<1x80x125xi32, #tpu.memory_space<hbm>> -> memref<80x125xi32, #tpu.memory_space<hbm>>
      %dma_wait3A_74 = arith.constant 0 : i32
      %dma_wait3A_75 = arith.constant 0 : i32
      %dma_wait3A_76 = tpu.memref_slice %arg3[%add3A, %dma_wait3A_74, %dma_wait3A_75] : memref<32x80x125xi32, #tpu.memory_space<hbm>> -> memref<1x80x125xi32, #tpu.memory_space<hbm>>
      %dma_wait3A_77 = tpu.memref_squeeze %dma_wait3A_76 : memref<1x80x125xi32, #tpu.memory_space<hbm>> -> memref<80x125xi32, #tpu.memory_space<hbm>>
      tpu.wait_dma2 semaphore(%run_scoped3A : memref<!tpu.dma_semaphore, #tpu.memory_space<semaphore_mem>>) src(%dma_wait3A_77 : memref<80x125xi32, #tpu.memory_space<hbm>>) dst(%arg6 : memref<80x125xi32, #tpu.memory_space<vmem>>)
      tpu.yield
    }) : () -> ()
    %add3A_30 = arith.constant 0 : i32
    %add3A_31 = arith.addi %mul3A_2, %add3A_30 : i32
    %dma_start3A = arith.constant 0 : i32
    %dma_start3A_32 = tpu.memref_slice %arg2[%add3A_31, %dma_start3A] : memref<320000x128xf32, #tpu.memory_space<hbm>> -> memref<125x128xf32, #tpu.memory_space<hbm>>
    %dma_start3A_33 = arith.constant 0 : i32
    %dma_start3A_34 = tpu.memref_slice %arg2[%add3A_31, %dma_start3A_33] : memref<320000x128xf32, #tpu.memory_space<hbm>> -> memref<125x128xf32, #tpu.memory_space<hbm>>
    tpu.enqueue_dma source(%dma_start3A_34 : memref<125x128xf32, #tpu.memory_space<hbm>>) target(%arg7 : memref<125x128xf32, #tpu.memory_space<vmem>>) target_semaphore(%arg10 : memref<!tpu.dma_semaphore, #tpu.memory_space<semaphore_mem>>)
    %add3A_35 = arith.constant 125 : i32
    %add3A_36 = arith.addi %mul3A_2, %add3A_35 : i32
    %dma_start3A_37 = arith.constant 0 : i32
    %dma_start3A_38 = tpu.memref_slice %arg2[%add3A_36, %dma_start3A_37] : memref<320000x128xf32, #tpu.memory_space<hbm>> -> memref<125x128xf32, #tpu.memory_space<hbm>>
    %dma_start3A_39 = arith.constant 0 : i32
    %dma_start3A_40 = tpu.memref_slice %arg2[%add3A_36, %dma_start3A_39] : memref<320000x128xf32, #tpu.memory_space<hbm>> -> memref<125x128xf32, #tpu.memory_space<hbm>>
    tpu.enqueue_dma source(%dma_start3A_40 : memref<125x128xf32, #tpu.memory_space<hbm>>) target(%arg8 : memref<125x128xf32, #tpu.memory_space<vmem>>) target_semaphore(%arg11 : memref<!tpu.dma_semaphore, #tpu.memory_space<semaphore_mem>>)
    %scan3A_41 = arith.constant 0 : i32
    %scan3A_42 = arith.constant 0 : i32
    %scan3A_43 = arith.constant 40 : i32
    %scan3A_44 = arith.addi %scan3A_42, %scan3A_43 : i32
    %scan3A_45 = arith.constant 1 : i32
    %scan3A_46 = scf.for %scan3A_62 = %scan3A_42 to %scan3A_44 step %scan3A_45 iter_args(%scan3A_63 = %scan3A_41) -> (i32)  : i32 {
      %mul3A_64 = arith.constant 2 : i32
      %mul3A_65 = arith.muli %scan3A_62, %mul3A_64 : i32
      %add3A_66 = arith.constant 0 : i32
      %add3A_67 = arith.addi %mul3A_65, %add3A_66 : i32
      %mul3A_68 = arith.constant 125 : i32
      %mul3A_69 = arith.muli %add3A_67, %mul3A_68 : i32
      %add3A_70 = arith.addi %mul3A_2, %mul3A_69 : i32
      %dma_wait3A_71 = arith.constant 0 : i32
      %dma_wait3A_72 = tpu.memref_slice %arg2[%add3A_70, %dma_wait3A_71] : memref<320000x128xf32, #tpu.memory_space<hbm>> -> memref<125x128xf32, #tpu.memory_space<hbm>>
      %dma_wait3A_73 = arith.constant 0 : i32
      %dma_wait3A_74 = tpu.memref_slice %arg2[%add3A_70, %dma_wait3A_73] : memref<320000x128xf32, #tpu.memory_space<hbm>> -> memref<125x128xf32, #tpu.memory_space<hbm>>
      tpu.wait_dma2 semaphore(%arg10 : memref<!tpu.dma_semaphore, #tpu.memory_space<semaphore_mem>>) src(%dma_wait3A_74 : memref<125x128xf32, #tpu.memory_space<hbm>>) dst(%arg7 : memref<125x128xf32, #tpu.memory_space<vmem>>)
      %add3A_75 = arith.constant 0 : i32
      %add3A_76 = arith.addi %mul3A_65, %add3A_75 : i32
      %mul3A_77 = arith.constant 125 : i32
      %mul3A_78 = arith.muli %add3A_76, %mul3A_77 : i32
      %add3A_79 = arith.addi %mul3A_2, %mul3A_78 : i32
      %dma_start3A_80 = arith.constant 0 : i32
      %dma_start3A_81 = tpu.memref_slice %arg5[%add3A_79, %dma_start3A_80] : memref<320000x128xf32, #tpu.memory_space<hbm>> -> memref<125x128xf32, #tpu.memory_space<hbm>>
      %dma_start3A_82 = arith.constant 0 : i32
      %dma_start3A_83 = tpu.memref_slice %arg5[%add3A_79, %dma_start3A_82] : memref<320000x128xf32, #tpu.memory_space<hbm>> -> memref<125x128xf32, #tpu.memory_space<hbm>>
      tpu.enqueue_dma source(%arg7 : memref<125x128xf32, #tpu.memory_space<vmem>>) target(%dma_start3A_83 : memref<125x128xf32, #tpu.memory_space<hbm>>) target_semaphore(%arg12 : memref<!tpu.dma_semaphore, #tpu.memory_space<semaphore_mem>>)
      %add3A_84 = arith.constant 0 : i32
      %add3A_85 = arith.addi %mul3A_65, %add3A_84 : i32
      "tpu.region"() ({
        %run_scoped3A = tpu.sem_alloc : memref<!tpu.dma_semaphore, #tpu.memory_space<semaphore_mem>>
        %dma_start3A_122 = arith.constant 0 : i32
        %dma_start3A_123 = tpu.memref_slice %arg6[%add3A_85, %dma_start3A_122] : memref<80x125xi32, #tpu.memory_space<vmem>> -> memref<1x125xi32, #tpu.memory_space<vmem>>
        %dma_start3A_124 = tpu.memref_squeeze %dma_start3A_123 : memref<1x125xi32, #tpu.memory_space<vmem>> -> memref<125xi32, #tpu.memory_space<vmem>>
        %dma_start3A_125 = arith.constant 0 : i32
        %dma_start3A_126 = arith.constant 0 : i32
        %dma_start3A_127 = tpu.memref_slice %arg9[%dma_start3A_125, %dma_start3A_126] : memref<10000x128xf32, #tpu.memory_space<vmem_shared>> -> memref<10000x128xf32, #tpu.memory_space<vmem_shared>>
        tpu.enqueue_indirect_dma source(%arg7 : memref<125x128xf32, #tpu.memory_space<vmem>>) target(%dma_start3A_127 : memref<10000x128xf32, #tpu.memory_space<vmem_shared>>) offsets(%dma_start3A_124 : memref<125xi32, #tpu.memory_space<vmem>>) semaphore(%run_scoped3A : memref<!tpu.dma_semaphore, #tpu.memory_space<semaphore_mem>>) {add = true}
        %dma_wait3A_128 = arith.constant 0 : i32
        %dma_wait3A_129 = tpu.memref_slice %arg6[%add3A_85, %dma_wait3A_128] : memref<80x125xi32, #tpu.memory_space<vmem>> -> memref<1x125xi32, #tpu.memory_space<vmem>>
        %dma_wait3A_130 = tpu.memref_squeeze %dma_wait3A_129 : memref<1x125xi32, #tpu.memory_space<vmem>> -> memref<125xi32, #tpu.memory_space<vmem>>
        %dma_wait3A_131 = arith.constant 0 : i32
        %dma_wait3A_132 = arith.constant 0 : i32
        %dma_wait3A_133 = tpu.memref_slice %arg9[%dma_wait3A_131, %dma_wait3A_132] : memref<10000x128xf32, #tpu.memory_space<vmem_shared>> -> memref<10000x128xf32, #tpu.memory_space<vmem_shared>>
        tpu.wait_indirect_dma semaphore(%run_scoped3A : memref<!tpu.dma_semaphore, #tpu.memory_space<semaphore_mem>>) src(%arg7 : memref<125x128xf32, #tpu.memory_space<vmem>>) dst(%dma_wait3A_133 : memref<10000x128xf32, #tpu.memory_space<vmem_shared>>)
        tpu.yield
      }) : () -> ()
      %add3A_86 = arith.constant 2 : i32
      %add3A_87 = arith.addi %mul3A_65, %add3A_86 : i32
      %add3A_88 = arith.constant 0 : i32
      %add3A_89 = arith.addi %add3A_87, %add3A_88 : i32
      %lt3A = arith.constant 80 : i32
      %lt3A_90 = arith.cmpi slt, %add3A_89, %lt3A : i32
      %convert_element_type3A = arith.extui %lt3A_90 : i1 to i32
      %cond3A = arith.constant 0 : i32
      %cond3A_91 = arith.cmpi ne, %convert_element_type3A, %cond3A : i32
      scf.if %cond3A_91 {
        %add3A_122 = arith.constant 0 : i32
        %add3A_123 = arith.addi %mul3A_65, %add3A_122 : i32
        %mul3A_124 = arith.constant 125 : i32
        %mul3A_125 = arith.muli %add3A_123, %mul3A_124 : i32
        %add3A_126 = arith.addi %mul3A_2, %mul3A_125 : i32
        %dma_wait3A_127 = arith.constant 0 : i32
        %dma_wait3A_128 = tpu.memref_slice %arg5[%add3A_126, %dma_wait3A_127] : memref<320000x128xf32, #tpu.memory_space<hbm>> -> memref<125x128xf32, #tpu.memory_space<hbm>>
        %dma_wait3A_129 = arith.constant 0 : i32
        %dma_wait3A_130 = tpu.memref_slice %arg5[%add3A_126, %dma_wait3A_129] : memref<320000x128xf32, #tpu.memory_space<hbm>> -> memref<125x128xf32, #tpu.memory_space<hbm>>
        tpu.wait_dma2 semaphore(%arg12 : memref<!tpu.dma_semaphore, #tpu.memory_space<semaphore_mem>>) src(%arg7 : memref<125x128xf32, #tpu.memory_space<vmem>>) dst(%dma_wait3A_130 : memref<125x128xf32, #tpu.memory_space<hbm>>)
        %add3A_131 = arith.constant 2 : i32
        %add3A_132 = arith.addi %mul3A_65, %add3A_131 : i32
        %add3A_133 = arith.constant 0 : i32
        %add3A_134 = arith.addi %add3A_132, %add3A_133 : i32
        %mul3A_135 = arith.constant 125 : i32
        %mul3A_136 = arith.muli %add3A_134, %mul3A_135 : i32
        %add3A_137 = arith.addi %mul3A_2, %mul3A_136 : i32
        %dma_start3A_138 = arith.constant 0 : i32
        %dma_start3A_139 = tpu.memref_slice %arg2[%add3A_137, %dma_start3A_138] : memref<320000x128xf32, #tpu.memory_space<hbm>> -> memref<125x128xf32, #tpu.memory_space<hbm>>
        %dma_start3A_140 = arith.constant 0 : i32
        %dma_start3A_141 = tpu.memref_slice %arg2[%add3A_137, %dma_start3A_140] : memref<320000x128xf32, #tpu.memory_space<hbm>> -> memref<125x128xf32, #tpu.memory_space<hbm>>
        tpu.enqueue_dma source(%dma_start3A_141 : memref<125x128xf32, #tpu.memory_space<hbm>>) target(%arg7 : memref<125x128xf32, #tpu.memory_space<vmem>>) target_semaphore(%arg10 : memref<!tpu.dma_semaphore, #tpu.memory_space<semaphore_mem>>)
      } else {
      }
      %add3A_92 = arith.constant 1 : i32
      %add3A_93 = arith.addi %mul3A_65, %add3A_92 : i32
      %mul3A_94 = arith.constant 125 : i32
      %mul3A_95 = arith.muli %add3A_93, %mul3A_94 : i32
      %add3A_96 = arith.addi %mul3A_2, %mul3A_95 : i32
      %dma_wait3A_97 = arith.constant 0 : i32
      %dma_wait3A_98 = tpu.memref_slice %arg2[%add3A_96, %dma_wait3A_97] : memref<320000x128xf32, #tpu.memory_space<hbm>> -> memref<125x128xf32, #tpu.memory_space<hbm>>
      %dma_wait3A_99 = arith.constant 0 : i32
      %dma_wait3A_100 = tpu.memref_slice %arg2[%add3A_96, %dma_wait3A_99] : memref<320000x128xf32, #tpu.memory_space<hbm>> -> memref<125x128xf32, #tpu.memory_space<hbm>>
      tpu.wait_dma2 semaphore(%arg11 : memref<!tpu.dma_semaphore, #tpu.memory_space<semaphore_mem>>) src(%dma_wait3A_100 : memref<125x128xf32, #tpu.memory_space<hbm>>) dst(%arg8 : memref<125x128xf32, #tpu.memory_space<vmem>>)
      %add3A_101 = arith.constant 1 : i32
      %add3A_102 = arith.addi %mul3A_65, %add3A_101 : i32
      %mul3A_103 = arith.constant 125 : i32
      %mul3A_104 = arith.muli %add3A_102, %mul3A_103 : i32
      %add3A_105 = arith.addi %mul3A_2, %mul3A_104 : i32
      %dma_start3A_106 = arith.constant 0 : i32
      %dma_start3A_107 = tpu.memref_slice %arg5[%add3A_105, %dma_start3A_106] : memref<320000x128xf32, #tpu.memory_space<hbm>> -> memref<125x128xf32, #tpu.memory_space<hbm>>
      %dma_start3A_108 = arith.constant 0 : i32
      %dma_start3A_109 = tpu.memref_slice %arg5[%add3A_105, %dma_start3A_108] : memref<320000x128xf32, #tpu.memory_space<hbm>> -> memref<125x128xf32, #tpu.memory_space<hbm>>
      tpu.enqueue_dma source(%arg8 : memref<125x128xf32, #tpu.memory_space<vmem>>) target(%dma_start3A_109 : memref<125x128xf32, #tpu.memory_space<hbm>>) target_semaphore(%arg13 : memref<!tpu.dma_semaphore, #tpu.memory_space<semaphore_mem>>)
      %add3A_110 = arith.constant 1 : i32
      %add3A_111 = arith.addi %mul3A_65, %add3A_110 : i32
      "tpu.region"() ({
        %run_scoped3A = tpu.sem_alloc : memref<!tpu.dma_semaphore, #tpu.memory_space<semaphore_mem>>
        %dma_start3A_122 = arith.constant 0 : i32
        %dma_start3A_123 = tpu.memref_slice %arg6[%add3A_111, %dma_start3A_122] : memref<80x125xi32, #tpu.memory_space<vmem>> -> memref<1x125xi32, #tpu.memory_space<vmem>>
        %dma_start3A_124 = tpu.memref_squeeze %dma_start3A_123 : memref<1x125xi32, #tpu.memory_space<vmem>> -> memref<125xi32, #tpu.memory_space<vmem>>
        %dma_start3A_125 = arith.constant 0 : i32
        %dma_start3A_126 = arith.constant 0 : i32
        %dma_start3A_127 = tpu.memref_slice %arg9[%dma_start3A_125, %dma_start3A_126] : memref<10000x128xf32, #tpu.memory_space<vmem_shared>> -> memref<10000x128xf32, #tpu.memory_space<vmem_shared>>
        tpu.enqueue_indirect_dma source(%arg8 : memref<125x128xf32, #tpu.memory_space<vmem>>) target(%dma_start3A_127 : memref<10000x128xf32, #tpu.memory_space<vmem_shared>>) offsets(%dma_start3A_124 : memref<125xi32, #tpu.memory_space<vmem>>) semaphore(%run_scoped3A : memref<!tpu.dma_semaphore, #tpu.memory_space<semaphore_mem>>) {add = true}
        %dma_wait3A_128 = arith.constant 0 : i32
        %dma_wait3A_129 = tpu.memref_slice %arg6[%add3A_111, %dma_wait3A_128] : memref<80x125xi32, #tpu.memory_space<vmem>> -> memref<1x125xi32, #tpu.memory_space<vmem>>
        %dma_wait3A_130 = tpu.memref_squeeze %dma_wait3A_129 : memref<1x125xi32, #tpu.memory_space<vmem>> -> memref<125xi32, #tpu.memory_space<vmem>>
        %dma_wait3A_131 = arith.constant 0 : i32
        %dma_wait3A_132 = arith.constant 0 : i32
        %dma_wait3A_133 = tpu.memref_slice %arg9[%dma_wait3A_131, %dma_wait3A_132] : memref<10000x128xf32, #tpu.memory_space<vmem_shared>> -> memref<10000x128xf32, #tpu.memory_space<vmem_shared>>
        tpu.wait_indirect_dma semaphore(%run_scoped3A : memref<!tpu.dma_semaphore, #tpu.memory_space<semaphore_mem>>) src(%arg8 : memref<125x128xf32, #tpu.memory_space<vmem>>) dst(%dma_wait3A_133 : memref<10000x128xf32, #tpu.memory_space<vmem_shared>>)
        tpu.yield
      }) : () -> ()
      %add3A_112 = arith.constant 2 : i32
      %add3A_113 = arith.addi %mul3A_65, %add3A_112 : i32
      %add3A_114 = arith.constant 1 : i32
      %add3A_115 = arith.addi %add3A_113, %add3A_114 : i32
      %lt3A_116 = arith.constant 80 : i32
      %lt3A_117 = arith.cmpi slt, %add3A_115, %lt3A_116 : i32
      %convert_element_type3A_118 = arith.extui %lt3A_117 : i1 to i32
      %cond3A_119 = arith.constant 0 : i32
      %cond3A_120 = arith.cmpi ne, %convert_element_type3A_118, %cond3A_119 : i32
      scf.if %cond3A_120 {
        %add3A_122 = arith.constant 1 : i32
        %add3A_123 = arith.addi %mul3A_65, %add3A_122 : i32
        %mul3A_124 = arith.constant 125 : i32
        %mul3A_125 = arith.muli %add3A_123, %mul3A_124 : i32
        %add3A_126 = arith.addi %mul3A_2, %mul3A_125 : i32
        %dma_wait3A_127 = arith.constant 0 : i32
        %dma_wait3A_128 = tpu.memref_slice %arg5[%add3A_126, %dma_wait3A_127] : memref<320000x128xf32, #tpu.memory_space<hbm>> -> memref<125x128xf32, #tpu.memory_space<hbm>>
        %dma_wait3A_129 = arith.constant 0 : i32
        %dma_wait3A_130 = tpu.memref_slice %arg5[%add3A_126, %dma_wait3A_129] : memref<320000x128xf32, #tpu.memory_space<hbm>> -> memref<125x128xf32, #tpu.memory_space<hbm>>
        tpu.wait_dma2 semaphore(%arg13 : memref<!tpu.dma_semaphore, #tpu.memory_space<semaphore_mem>>) src(%arg8 : memref<125x128xf32, #tpu.memory_space<vmem>>) dst(%dma_wait3A_130 : memref<125x128xf32, #tpu.memory_space<hbm>>)
        %add3A_131 = arith.constant 2 : i32
        %add3A_132 = arith.addi %mul3A_65, %add3A_131 : i32
        %add3A_133 = arith.constant 1 : i32
        %add3A_134 = arith.addi %add3A_132, %add3A_133 : i32
        %mul3A_135 = arith.constant 125 : i32
        %mul3A_136 = arith.muli %add3A_134, %mul3A_135 : i32
        %add3A_137 = arith.addi %mul3A_2, %mul3A_136 : i32
        %dma_start3A_138 = arith.constant 0 : i32
        %dma_start3A_139 = tpu.memref_slice %arg2[%add3A_137, %dma_start3A_138] : memref<320000x128xf32, #tpu.memory_space<hbm>> -> memref<125x128xf32, #tpu.memory_space<hbm>>
        %dma_start3A_140 = arith.constant 0 : i32
        %dma_start3A_141 = tpu.memref_slice %arg2[%add3A_137, %dma_start3A_140] : memref<320000x128xf32, #tpu.memory_space<hbm>> -> memref<125x128xf32, #tpu.memory_space<hbm>>
        tpu.enqueue_dma source(%dma_start3A_141 : memref<125x128xf32, #tpu.memory_space<hbm>>) target(%arg8 : memref<125x128xf32, #tpu.memory_space<vmem>>) target_semaphore(%arg11 : memref<!tpu.dma_semaphore, #tpu.memory_space<semaphore_mem>>)
      } else {
      }
      %scan3A_121 = arith.constant 0 : i32
      scf.yield %scan3A_121 : i32
    }
    %scan3A_47 = arith.constant 40 : i32
    %add3A_48 = arith.constant 9750 : i32
    %add3A_49 = arith.addi %mul3A_2, %add3A_48 : i32
    %dma_wait3A = arith.constant 0 : i32
    %dma_wait3A_50 = tpu.memref_slice %arg5[%add3A_49, %dma_wait3A] : memref<320000x128xf32, #tpu.memory_space<hbm>> -> memref<125x128xf32, #tpu.memory_space<hbm>>
    %dma_wait3A_51 = arith.constant 0 : i32
    %dma_wait3A_52 = tpu.memref_slice %arg5[%add3A_49, %dma_wait3A_51] : memref<320000x128xf32, #tpu.memory_space<hbm>> -> memref<125x128xf32, #tpu.memory_space<hbm>>
    tpu.wait_dma2 semaphore(%arg12 : memref<!tpu.dma_semaphore, #tpu.memory_space<semaphore_mem>>) src(%arg7 : memref<125x128xf32, #tpu.memory_space<vmem>>) dst(%dma_wait3A_52 : memref<125x128xf32, #tpu.memory_space<hbm>>)
    %add3A_53 = arith.constant 9875 : i32
    %add3A_54 = arith.addi %mul3A_2, %add3A_53 : i32
    %dma_wait3A_55 = arith.constant 0 : i32
    %dma_wait3A_56 = tpu.memref_slice %arg5[%add3A_54, %dma_wait3A_55] : memref<320000x128xf32, #tpu.memory_space<hbm>> -> memref<125x128xf32, #tpu.memory_space<hbm>>
    %dma_wait3A_57 = arith.constant 0 : i32
    %dma_wait3A_58 = tpu.memref_slice %arg5[%add3A_54, %dma_wait3A_57] : memref<320000x128xf32, #tpu.memory_space<hbm>> -> memref<125x128xf32, #tpu.memory_space<hbm>>
    tpu.wait_dma2 semaphore(%arg13 : memref<!tpu.dma_semaphore, #tpu.memory_space<semaphore_mem>>) src(%arg8 : memref<125x128xf32, #tpu.memory_space<vmem>>) dst(%dma_wait3A_58 : memref<125x128xf32, #tpu.memory_space<hbm>>)
    %barrier3A_59 = arith.constant 0 : index
    tpu.barrier barrier_id(%barrier3A_59)
    %mul3A_60 = arith.constant 625 : i32
    %mul3A_61 = arith.muli %arg1, %mul3A_60 : i32
    "tpu.region"() ({
      %run_scoped3A = tpu.sem_alloc : memref<!tpu.dma_semaphore, #tpu.memory_space<semaphore_mem>>
      %dma_start3A_62 = arith.constant 0 : i32
      %dma_start3A_63 = tpu.memref_slice %arg4[%arg0, %mul3A_61, %dma_start3A_62] : memref<2x10000x128xf32, #tpu.memory_space<hbm>> -> memref<1x625x128xf32, #tpu.memory_space<hbm>>
      %dma_start3A_64 = tpu.memref_squeeze %dma_start3A_63 : memref<1x625x128xf32, #tpu.memory_space<hbm>> -> memref<625x128xf32, #tpu.memory_space<hbm>>
      %dma_start3A_65 = arith.constant 0 : i32
      %dma_start3A_66 = tpu.memref_slice %arg9[%mul3A_61, %dma_start3A_65] : memref<10000x128xf32, #tpu.memory_space<vmem_shared>> -> memref<625x128xf32, #tpu.memory_space<vmem_shared>>
      tpu.enqueue_dma source(%dma_start3A_66 : memref<625x128xf32, #tpu.memory_space<vmem_shared>>) target(%dma_start3A_64 : memref<625x128xf32, #tpu.memory_space<hbm>>) target_semaphore(%run_scoped3A : memref<!tpu.dma_semaphore, #tpu.memory_space<semaphore_mem>>)
      %dma_wait3A_67 = arith.constant 0 : i32
      %dma_wait3A_68 = tpu.memref_slice %arg4[%arg0, %mul3A_61, %dma_wait3A_67] : memref<2x10000x128xf32, #tpu.memory_space<hbm>> -> memref<1x625x128xf32, #tpu.memory_space<hbm>>
      %dma_wait3A_69 = tpu.memref_squeeze %dma_wait3A_68 : memref<1x625x128xf32, #tpu.memory_space<hbm>> -> memref<625x128xf32, #tpu.memory_space<hbm>>
      %dma_wait3A_70 = arith.constant 0 : i32
      %dma_wait3A_71 = tpu.memref_slice %arg9[%mul3A_61, %dma_wait3A_70] : memref<10000x128xf32, #tpu.memory_space<vmem_shared>> -> memref<625x128xf32, #tpu.memory_space<vmem_shared>>
      tpu.wait_dma2 semaphore(%run_scoped3A : memref<!tpu.dma_semaphore, #tpu.memory_space<semaphore_mem>>) src(%dma_wait3A_71 : memref<625x128xf32, #tpu.memory_space<vmem_shared>>) dst(%dma_wait3A_69 : memref<625x128xf32, #tpu.memory_space<hbm>>)
      tpu.yield
    }) : () -> ()
    return
  }
}

module attributes {stable_mosaic.version = 14 : i64} {
  func.func @_mlp_body(%arg0: i32, %arg1: memref<2x1000x128xf32, #tpu.memory_space<vmem>>, %arg2: memref<1000x128xf32, #tpu.memory_space<vmem>>, %arg3: memref<128x128xf32, #tpu.memory_space<vmem>>, %arg4: memref<128x128xf32, #tpu.memory_space<vmem>>, %arg5: memref<1x128xf32, #tpu.memory_space<vmem>>, %arg6: memref<128x128xf32, #tpu.memory_space<vmem>>, %arg7: memref<1x128xf32, #tpu.memory_space<vmem>>, %arg8: memref<1x128xf32, #tpu.memory_space<vmem>>, %arg9: memref<1x128xf32, #tpu.memory_space<vmem>>, %arg10: memref<1000x128xf32, #tpu.memory_space<vmem>>) attributes {dimension_semantics = [#tpu.dimension_semantics<arbitrary>], iteration_bounds = array<i64: 10>, scalar_prefetch = 0 : i64, scratch_operands = 0 : i64, tpu.core_type = #tpu.core_type<tc>, window_params = [{transform_indices = @transform_0, window_bounds = array<i64: 2, 1000, 128>}, {transform_indices = @transform_1, window_bounds = array<i64: 1000, 128>}, {pipeline_mode = #tpu.pipeline_mode<synchronous>, transform_indices = @transform_2, window_bounds = array<i64: 128, 128>}, {pipeline_mode = #tpu.pipeline_mode<synchronous>, transform_indices = @transform_3, window_bounds = array<i64: 128, 128>}, {pipeline_mode = #tpu.pipeline_mode<synchronous>, transform_indices = @transform_4, window_bounds = array<i64: 1, 128>}, {pipeline_mode = #tpu.pipeline_mode<synchronous>, transform_indices = @transform_5, window_bounds = array<i64: 128, 128>}, {pipeline_mode = #tpu.pipeline_mode<synchronous>, transform_indices = @transform_6, window_bounds = array<i64: 1, 128>}, {pipeline_mode = #tpu.pipeline_mode<synchronous>, transform_indices = @transform_7, window_bounds = array<i64: 1, 128>}, {pipeline_mode = #tpu.pipeline_mode<synchronous>, transform_indices = @transform_8, window_bounds = array<i64: 1, 128>}, {transform_indices = @transform_9, window_bounds = array<i64: 1000, 128>}]} {
    %get3A = arith.constant 0 : index
    %get3A_0 = arith.constant 0 : index
    %get3A_1 = vector.load %arg2[%get3A, %get3A_0] : memref<1000x128xf32, #tpu.memory_space<vmem>>, vector<1000x128xf32>
    %get3A_2 = arith.constant 0 : index
    %get3A_3 = arith.constant 0 : index
    %get3A_4 = arith.constant 0 : index
    %get3A_5 = vector.load %arg1[%get3A_2, %get3A_3, %get3A_4] : memref<2x1000x128xf32, #tpu.memory_space<vmem>>, vector<1x1000x128xf32>
    %get3A_6 = vector.shape_cast %get3A_5 : vector<1x1000x128xf32> to vector<1000x128xf32>
    %get3A_7 = arith.constant 1 : index
    %get3A_8 = arith.constant 0 : index
    %get3A_9 = arith.constant 0 : index
    %get3A_10 = vector.load %arg1[%get3A_7, %get3A_8, %get3A_9] : memref<2x1000x128xf32, #tpu.memory_space<vmem>>, vector<1x1000x128xf32>
    %get3A_11 = vector.shape_cast %get3A_10 : vector<1x1000x128xf32> to vector<1000x128xf32>
    %add3A = arith.addf %get3A_6, %get3A_11 : vector<1000x128xf32>
    %get3A_12 = arith.constant 0 : index
    %get3A_13 = arith.constant 0 : index
    %get3A_14 = vector.load %arg3[%get3A_12, %get3A_13] : memref<128x128xf32, #tpu.memory_space<vmem>>, vector<128x128xf32>
    %dot_general3A = arith.constant dense<0.000000e+00> : vector<1000x128xf32>
    %dot_general3A_15 = tpu.matmul %add3A, %get3A_14, %dot_general3A {dimension_numbers = #tpu.dot_dimension_numbers<[1], [0], [0], [1], [0, 0, 1, 1], [], []>, transpose_lhs_hint = false} : vector<1000x128xf32>, vector<128x128xf32>, vector<1000x128xf32> -> vector<1000x128xf32>
    %get3A_16 = arith.constant 0 : index
    %get3A_17 = arith.constant 0 : index
    %get3A_18 = vector.load %arg4[%get3A_16, %get3A_17] : memref<128x128xf32, #tpu.memory_space<vmem>>, vector<128x128xf32>
    %dot_general3A_19 = arith.constant dense<0.000000e+00> : vector<1000x128xf32>
    %dot_general3A_20 = tpu.matmul %get3A_1, %get3A_18, %dot_general3A_19 {dimension_numbers = #tpu.dot_dimension_numbers<[1], [0], [0], [1], [0, 0, 1, 1], [], []>, transpose_lhs_hint = false} : vector<1000x128xf32>, vector<128x128xf32>, vector<1000x128xf32> -> vector<1000x128xf32>
    %add3A_21 = arith.addf %dot_general3A_15, %dot_general3A_20 : vector<1000x128xf32>
    %get3A_22 = arith.constant 0 : index
    %get3A_23 = arith.constant 0 : index
    %get3A_24 = vector.load %arg5[%get3A_22, %get3A_23] : memref<1x128xf32, #tpu.memory_space<vmem>>, vector<1x128xf32>
    %get3A_25 = vector.shape_cast %get3A_24 : vector<1x128xf32> to vector<128xf32>
    %broadcast_in_dim3A = vector.shape_cast %get3A_25 : vector<128xf32> to vector<1x128xf32>
    %add3A_26 = vector.broadcast %broadcast_in_dim3A : vector<1x128xf32> to vector<1000x128xf32>
    %add3A_27 = arith.addf %add3A_21, %add3A_26 : vector<1000x128xf32>
    %logistic3A = arith.negf %add3A_27 : vector<1000x128xf32>
    %logistic3A_28 = math.exp %logistic3A : vector<1000x128xf32>
    %logistic3A_29 = arith.constant 1.000000e+00 : f32
    %logistic3A_30 = vector.broadcast %logistic3A_29 : f32 to vector<1000x128xf32>
    %logistic3A_31 = arith.addf %logistic3A_30, %logistic3A_28 : vector<1000x128xf32>
    %logistic3A_32 = arith.divf %logistic3A_30, %logistic3A_31 : vector<1000x128xf32>
    %mul3A = arith.mulf %add3A_27, %logistic3A_32 : vector<1000x128xf32>
    %get3A_33 = arith.constant 0 : index
    %get3A_34 = arith.constant 0 : index
    %get3A_35 = vector.load %arg6[%get3A_33, %get3A_34] : memref<128x128xf32, #tpu.memory_space<vmem>>, vector<128x128xf32>
    %dot_general3A_36 = arith.constant dense<0.000000e+00> : vector<1000x128xf32>
    %dot_general3A_37 = tpu.matmul %mul3A, %get3A_35, %dot_general3A_36 {dimension_numbers = #tpu.dot_dimension_numbers<[1], [0], [0], [1], [0, 0, 1, 1], [], []>, transpose_lhs_hint = false} : vector<1000x128xf32>, vector<128x128xf32>, vector<1000x128xf32> -> vector<1000x128xf32>
    %get3A_38 = arith.constant 0 : index
    %get3A_39 = arith.constant 0 : index
    %get3A_40 = vector.load %arg7[%get3A_38, %get3A_39] : memref<1x128xf32, #tpu.memory_space<vmem>>, vector<1x128xf32>
    %get3A_41 = vector.shape_cast %get3A_40 : vector<1x128xf32> to vector<128xf32>
    %broadcast_in_dim3A_42 = vector.shape_cast %get3A_41 : vector<128xf32> to vector<1x128xf32>
    %add3A_43 = vector.broadcast %broadcast_in_dim3A_42 : vector<1x128xf32> to vector<1000x128xf32>
    %add3A_44 = arith.addf %dot_general3A_37, %add3A_43 : vector<1000x128xf32>
    %reduce_sum3A = arith.constant dense<0.000000e+00> : vector<1000xf32>
    %reduce_sum3A_45 = vector.multi_reduction <add>, %add3A_44, %reduce_sum3A [1] : vector<1000x128xf32> to vector<1000xf32>
    %broadcast_in_dim3A_46 = vector.shape_cast %reduce_sum3A_45 : vector<1000xf32> to vector<1000x1xf32>
    %div3A = arith.constant 1.280000e+02 : f32
    %div3A_47 = vector.broadcast %div3A : f32 to vector<1000x1xf32>
    %div3A_48 = arith.divf %broadcast_in_dim3A_46, %div3A_47 : vector<1000x1xf32>
    %sub3A = vector.broadcast %div3A_48 : vector<1000x1xf32> to vector<1000x128xf32>
    %sub3A_49 = arith.subf %add3A_44, %sub3A : vector<1000x128xf32>
    %mul3A_50 = arith.mulf %sub3A_49, %sub3A_49 : vector<1000x128xf32>
    %reduce_sum3A_51 = arith.constant dense<0.000000e+00> : vector<1000xf32>
    %reduce_sum3A_52 = vector.multi_reduction <add>, %mul3A_50, %reduce_sum3A_51 [1] : vector<1000x128xf32> to vector<1000xf32>
    %broadcast_in_dim3A_53 = vector.shape_cast %reduce_sum3A_52 : vector<1000xf32> to vector<1000x1xf32>
    %div3A_54 = arith.constant 1.280000e+02 : f32
    %div3A_55 = vector.broadcast %div3A_54 : f32 to vector<1000x1xf32>
    %div3A_56 = arith.divf %broadcast_in_dim3A_53, %div3A_55 : vector<1000x1xf32>
    %add3A_57 = arith.constant 9.99999974E-6 : f32
    %add3A_58 = vector.broadcast %add3A_57 : f32 to vector<1000x1xf32>
    %add3A_59 = arith.addf %div3A_56, %add3A_58 : vector<1000x1xf32>
    %rsqrt3A = math.rsqrt %add3A_59 : vector<1000x1xf32>
    %mul3A_60 = vector.broadcast %rsqrt3A : vector<1000x1xf32> to vector<1000x128xf32>
    %mul3A_61 = arith.mulf %sub3A_49, %mul3A_60 : vector<1000x128xf32>
    %get3A_62 = arith.constant 0 : index
    %get3A_63 = arith.constant 0 : index
    %get3A_64 = vector.load %arg8[%get3A_62, %get3A_63] : memref<1x128xf32, #tpu.memory_space<vmem>>, vector<1x128xf32>
    %get3A_65 = vector.shape_cast %get3A_64 : vector<1x128xf32> to vector<128xf32>
    %broadcast_in_dim3A_66 = vector.shape_cast %get3A_65 : vector<128xf32> to vector<1x128xf32>
    %mul3A_67 = vector.broadcast %broadcast_in_dim3A_66 : vector<1x128xf32> to vector<1000x128xf32>
    %mul3A_68 = arith.mulf %mul3A_61, %mul3A_67 : vector<1000x128xf32>
    %get3A_69 = arith.constant 0 : index
    %get3A_70 = arith.constant 0 : index
    %get3A_71 = vector.load %arg9[%get3A_69, %get3A_70] : memref<1x128xf32, #tpu.memory_space<vmem>>, vector<1x128xf32>
    %get3A_72 = vector.shape_cast %get3A_71 : vector<1x128xf32> to vector<128xf32>
    %broadcast_in_dim3A_73 = vector.shape_cast %get3A_72 : vector<128xf32> to vector<1x128xf32>
    %add3A_74 = vector.broadcast %broadcast_in_dim3A_73 : vector<1x128xf32> to vector<1000x128xf32>
    %add3A_75 = arith.addf %mul3A_68, %add3A_74 : vector<1000x128xf32>
    %add3A_76 = arith.addf %add3A_75, %get3A_1 : vector<1000x128xf32>
    %swap3A = arith.constant 0 : index
    %swap3A_77 = arith.constant 0 : index
    %swap3A_78 = vector.load %arg10[%swap3A, %swap3A_77] : memref<1000x128xf32, #tpu.memory_space<vmem>>, vector<1000x128xf32>
    tpu.vector_store %arg10[%swap3A, %swap3A_77], %add3A_76 {strides = array<i32>} : memref<1000x128xf32, #tpu.memory_space<vmem>>, vector<1000x128xf32>,
    return
  }
  func.func @transform_0(%arg0: i32) -> (i32, i32, i32) {
    %c0_i32 = arith.constant 0 : i32
    %c0_i32_0 = arith.constant 0 : i32
    %c0_i32_1 = arith.constant 0 : i32
    return %c0_i32, %arg0, %c0_i32_0 : i32, i32, i32
  }
  func.func @transform_1(%arg0: i32) -> (i32, i32) {
    %c0_i32 = arith.constant 0 : i32
    %c0_i32_0 = arith.constant 0 : i32
    return %arg0, %c0_i32 : i32, i32
  }
  func.func @transform_2(%arg0: i32) -> (i32, i32) {
    %c0_i32 = arith.constant 0 : i32
    %c0_i32_0 = arith.constant 0 : i32
    %c0_i32_1 = arith.constant 0 : i32
    return %c0_i32, %c0_i32_0 : i32, i32
  }
  func.func @transform_3(%arg0: i32) -> (i32, i32) {
    %c0_i32 = arith.constant 0 : i32
    %c0_i32_0 = arith.constant 0 : i32
    %c0_i32_1 = arith.constant 0 : i32
    return %c0_i32, %c0_i32_0 : i32, i32
  }
  func.func @transform_4(%arg0: i32) -> (i32, i32) {
    %c0_i32 = arith.constant 0 : i32
    %c0_i32_0 = arith.constant 0 : i32
    %c0_i32_1 = arith.constant 0 : i32
    return %c0_i32, %c0_i32_0 : i32, i32
  }
  func.func @transform_5(%arg0: i32) -> (i32, i32) {
    %c0_i32 = arith.constant 0 : i32
    %c0_i32_0 = arith.constant 0 : i32
    %c0_i32_1 = arith.constant 0 : i32
    return %c0_i32, %c0_i32_0 : i32, i32
  }
  func.func @transform_6(%arg0: i32) -> (i32, i32) {
    %c0_i32 = arith.constant 0 : i32
    %c0_i32_0 = arith.constant 0 : i32
    %c0_i32_1 = arith.constant 0 : i32
    return %c0_i32, %c0_i32_0 : i32, i32
  }
  func.func @transform_7(%arg0: i32) -> (i32, i32) {
    %c0_i32 = arith.constant 0 : i32
    %c0_i32_0 = arith.constant 0 : i32
    %c0_i32_1 = arith.constant 0 : i32
    return %c0_i32, %c0_i32_0 : i32, i32
  }
  func.func @transform_8(%arg0: i32) -> (i32, i32) {
    %c0_i32 = arith.constant 0 : i32
    %c0_i32_0 = arith.constant 0 : i32
    %c0_i32_1 = arith.constant 0 : i32
    return %c0_i32, %c0_i32_0 : i32, i32
  }
  func.func @transform_9(%arg0: i32) -> (i32, i32) {
    %c0_i32 = arith.constant 0 : i32
    %c0_i32_0 = arith.constant 0 : i32
    return %arg0, %c0_i32 : i32, i32
  }
}

</mosaic_0001>

<sc_bundles>
// kernel: kernel.4.cloned.1.call-start
scs
__scs_entry_jumppad:
0x0: {  	(pc) =	sbr.rel $0x88, $3  }
0x1: {  	(tag) =	ssettag $0x0;
	lr =	simm.s32 $0x1  }
0x2: {  	[smem:$0x3F98] =	sst lr;
	_ =	strace $0xD0000000  }
0x3: {  	_ = 	snop  }
0x4: {  	_ = 	snop  }
0x5: {  	_ = 	snop  }
0x6: {  	_ = 	snop  }
0x7: {  	_ = 	snop  }
__scs_overlays_trampoline_lowered:
0x8: {  	[smem:$0x3FA7] =	sst s0  }
0x9: {  	[smem:$0x3FA8] =	sst s1  }
0xa: {  	[smem:$0x3FA9] =	sst s2  }
0xb: {  	[smem:$0x3FAA] =	sst s3  }
0xc: {  	[smem:$0x3FAB] =	sst s4  }
0xd: {  	[smem:$0x3FAC] =	sst s5  }
0xe: {  	[smem:$0x3FAD] =	sst s6  }
0xf: {  	[smem:$0x3FAE] =	sst s7  }
0x10: {  	[smem:$0x3FAF] =	sst s8  }
0x11: {  	[smem:$0x3FB0] =	sst s9;
	s0 =	simm.s32 @!p0 $0x0  }
0x12: {  	s1 =	sld [smem:$0x3F96];
	s0 =	simm.s32 @p0 $0x1  }
0x13: {  	[smem:$0x3FB1] =	sst s0;
	s0 =	simm.s32 @!p1 $0x0  }
0x14: {  	s2 =	sld [smem:$0x3F95];
	s0 =	simm.s32 @p1 $0x1  }
0x15: {  	[smem:$0x3FB2] =	sst s0;
	s0 =	simm.s32 @!p2 $0x0  }
0x16: {  	s3 =	sld [smem:$0x3FDB];
	s0 =	simm.s32 @p2 $0x1  }
0x17: {  	s4 =	simm.s32 $0x1BF5;
	[smem:$0x3FB4] =	sst s0  }
0x18: {  	s0 =	sld [smem:$0x3F97];
	_ =	swait.ge [sflag:s4], $0x0  }
0x19: {  	s7 =	sld [smem:$0x3F98]  }
0x1a: {  	s8 =	sadd.s32 $0xFFFFE003, lr  }
0x1b: {  	s9 =	sadd.s32 $0xFFFFFEF7, lr;
	s5 =	simm.s32 $0xFFFFFFFF;
	p2 =	slt.u32 s8, $0xFFFFF086  }
0x1c: {  	p1 =	slt.u32 s9, $0xF7A;
	s5 =	simm.s32 @!p2 $0x0  }
0x1d: {  	s5 =	simm.s32 @p1 $0x1;
	p0 =	seq.s32 s7, s2  }
0x1e: {  	s7 =	smul.u32 @!p0 $0xF7A, s2;
	p2 =	seq.s32 @!p0 s5, $0x0  }
0x1f: {  	s9 =	smul.u32 $0xF7A, s1;
	s8 =	simm.s32 @!p0 $0x1BF5;
	p2 =	por !p2, p0  }
0x20: {  	[sflag:s8] =	ssyncset.s32 @!p0 $0xFFFFF086;
	s6 =	sadd.s32 @!p0 s3, s7;
	s7 =	simm.s32 @!p0 $0x108  }
0x21: {  	s3 =	sadd.s32 s3, s9;
	s6 =	sadd.s32 @!p0 $0x88, s6;
	s7 =	simm.s32 @p2 $0x1082  }
0x22: {  	[simem:s7], [sflag:s8] =	dma.local @!p0 [hbm:s6], $0xF7A  }
0x23: {  	s9 =	sor.u32 $0xD0000000, s2;
	s6 =	simm.s32 $0x108;
	_ =	swait.ge @!p0 [sflag:s8], $0x0  }
0x24: {  	s3 =	sadd.s32 $0x88, s3;
	s6 =	simm.s32 @!p1 $0x1082;
	[sflag:s4] =	ssyncset.s32 $0xFFFFF086  }
0x25: {  	[simem:s6], [sflag:s4] =	dma.local [hbm:s3], $0xF7A  }
0x26: {  	[smem:$0x3F98] =	sst s1;
	(tag) =	ssettag s2;
	_ =	strace s9  }
0x27: {  	s1 =	sld [smem:$0x3FA8]  }
0x28: {  	s2 =	sld [smem:$0x3FA9]  }
0x29: {  	s4 =	sld [smem:$0x3FAB]  }
0x2a: {  	p0 =	seq.s32 s5, $0x0;
	s5 =	sld [smem:$0x3FAC]  }
0x2b: {  	s6 =	sld [smem:$0x3FAD]  }
0x2c: {  	s7 =	sld [smem:$0x3FAE]  }
0x2d: {  	s3 =	simm.s32 $0x108;
	s8 =	sld [smem:$0x3FAF]  }
0x2e: {  	s3 =	simm.s32 @!p0 $0x1082;
	s9 =	sld [smem:$0x3FB0]  }
0x2f: {  	lr =	sadd.s32 s0, s3;
	s0 =	sld [smem:$0x3FA7]  }
0x30: {  	s3 =	sld [smem:$0x3FAA]  }
0x31: {  	[smem:$0x3FB3] =	sst s10  }
0x32: {  	s10 =	sld [smem:$0x3FB1];
	_ =	sdelay $0x3  }
0x33: {  	p0 =	seq.s32 s10, $0x1;
	s10 =	sld [smem:$0x3FB3];
	_ =	sdelay $0x3  }
0x34: {  	[smem:$0x3FB3] =	sst s10  }
0x35: {  	s10 =	sld [smem:$0x3FB2];
	_ =	sdelay $0x3  }
0x36: {  	p1 =	seq.s32 s10, $0x1;
	s10 =	sld [smem:$0x3FB3];
	_ =	sdelay $0x3  }
0x37: {  	[smem:$0x3FB3] =	sst s10  }
0x38: {  	s10 =	sld [smem:$0x3FB4]  }
0x39: {  	_ = 	snop;
	(pc) =	sbr.ind lr, $3  }
0x3a: {  	_ = 	snop  }
0x3b: {  	_ = 	snop  }
0x3c: {  	p2 =	seq.s32 s10, $0x1;
	s10 =	sld [smem:$0x3FB3]  }
0x3d: {  	_ =	shalt  }
0x3e: {  	_ =	shalt  }
0x3f: {  	_ =	shalt  }
0x40: {  	_ =	shalt  }
0x41: {  	_ =	shalt  }
0x42: {  	_ =	shalt  }
0x43: {  	_ =	shalt  }
0x44: {  	_ =	shalt  }
0x45: {  	_ =	shalt  }
0x46: {  	_ =	shalt  }
0x47: {  	_ =	shalt  }
0x48: {  	_ =	shalt  }
0x49: {  	_ =	shalt  }
0x4a: {  	_ =	shalt  }
0x4b: {  	_ =	shalt  }
0x4c: {  	_ =	shalt  }
0x4d: {  	_ =	shalt  }
0x4e: {  	_ =	shalt  }
0x4f: {  	_ =	shalt  }
0x50: {  	_ =	shalt  }
0x51: {  	_ =	shalt  }
0x52: {  	_ =	shalt  }
0x53: {  	_ =	shalt  }
0x54: {  	_ =	shalt  }
0x55: {  	_ =	shalt  }
0x56: {  	_ =	shalt  }
0x57: {  	_ =	shalt  }
0x58: {  	_ =	shalt  }
0x59: {  	_ =	shalt  }
0x5a: {  	_ =	shalt  }
0x5b: {  	_ =	shalt  }
0x5c: {  	_ =	shalt  }
0x5d: {  	_ =	shalt  }
0x5e: {  	_ =	shalt  }
0x5f: {  	_ =	shalt  }
0x60: {  	_ =	shalt  }
0x61: {  	_ =	shalt  }
0x62: {  	_ =	shalt  }
0x63: {  	_ =	shalt  }
0x64: {  	_ =	shalt  }
0x65: {  	_ =	shalt  }
0x66: {  	_ =	shalt  }
0x67: {  	_ =	shalt  }
0x68: {  	_ =	shalt  }
0x69: {  	_ =	shalt  }
0x6a: {  	_ =	shalt  }
0x6b: {  	_ =	shalt  }
0x6c: {  	_ =	shalt  }
0x6d: {  	_ =	shalt  }
0x6e: {  	_ =	shalt  }
0x6f: {  	_ =	shalt  }
0x70: {  	_ =	shalt  }
0x71: {  	_ =	shalt  }
0x72: {  	_ =	shalt  }
0x73: {  	_ =	shalt  }
0x74: {  	_ =	shalt  }
0x75: {  	_ =	shalt  }
0x76: {  	_ =	shalt  }
0x77: {  	_ =	shalt  }
0x78: {  	_ =	shalt  }
0x79: {  	_ =	shalt  }
0x7a: {  	_ =	shalt  }
0x7b: {  	_ =	shalt  }
0x7c: {  	_ =	shalt  }
0x7d: {  	_ =	shalt  }
0x7e: {  	_ =	shalt  }
0x7f: {  	_ =	shalt  }
0x80: {  	_ =	shalt  }
0x81: {  	_ =	shalt  }
0x82: {  	_ =	shalt  }
0x83: {  	_ =	shalt  }
0x84: {  	_ =	shalt  }
0x85: {  	_ =	shalt  }
0x86: {  	_ =	shalt  }
0x87: {  	_ =	shalt  }
.Lfunc_end0:
.L_simem_size_0:
called_computation_lowered:
.L_overlay_start_0:
0x88: {  	s2 =	sld [smem:$0x3FD9]  }
0x89: {  	s3 =	sld [smem:$0x3FFE];
	_ =	sdelay $0x1  }
0x8a: {  	s1 =	srdreg.scid  }
0x8b: {  	s0 =	sand.u32 $0x1, s1  }
0x8c: {  	s14 =	sshll.u32 s0, $0xA;
	s2 =	sadd.s32 s3, s2  }
0x8d: {  	s2 =	sadd.s32 s2, s14  }
0x8e: {  	[smem:$0x3FBF] =	sst s2  }
0x8f: {  	_ = 	snop  }
0x90: {  	s2 =	sld [smem:$0x3FD0];
	_ =	sdelay $0x2  }
0x91: {  	s4 =	simm.s32 $0xA;
	s5 =	simm.s32 $0x10;
	s15 =	sld [smem:$0x3FC9]  }
0x92: {  	[smem:s5], [sflag:s4] =	dma.local [hbm:s2], $0x1  }
0x93: {  	_ =	swait.eq [sflag:s4], $0x1  }
0x94: {  	[sflag:s4] =	ssyncset.done $0x0  }
0x95: {  	s16 =	sld [smem:$0x10];
	[sflag:s4] =	ssyncadd.s32 $0xFFFFFFFF  }
0x96: {  	s17 =	sld [smem:$0x11];
	(tm) =	ssettm $0x1  }
0x97: {  	s18 =	sld [smem:$0x3FFB];
	_ =	sdelay $0x3  }
0x98: {  	_ =	strace s18  }
0x99: {  	s5 =	sld [smem:$0x3FFC];
	_ =	sdelay $0x3  }
0x9a: {  	_ =	strace s5  }
0x9b: {  	s5 =	sld [smem:$0x3FFD];
	_ =	sdelay $0x3  }
0x9c: {  	_ =	strace s5  }
0x9d: {  	_ =	strace $0x8FFFFFFF  }
0x9e: {  	s19 =	sld [smem:$0x3FDB];
	_ =	sdelay $0x1  }
0x9f: {  	s6 =	simm.s32 $_scs_section_size  }
0xa0: {  	s7 =	simm.s32 $_size__tile_overlayer_lowered;
	s8 =	simm.s32 $_tile_overlayer_lowered  }
0xa1: {  	s22 =	simm.s32 $0x1BFF;
	s21 =	sshll.u32 s8, $0x1;
	s5 =	sadd.s32 s6, s19  }
0xa2: {  	s9 =	simm.s32 $0x0;
	s20 =	sshll.u32 s7, $0x1;
	s7 =	sadd.s32 s21, s5  }
0xa3: {  	[timem:s9], [sflag:s22] =	dma.local [hbm:s7], s20  }
0xa4: {  	_ =	swait.ge [sflag:s22], s20  }
0xa5: {  	s6 =	ssub.s32 $0x0, s20;
	[sflag:s22] =	ssyncset.done $0x0  }
0xa6: {  	[sflag:s22] =	ssyncadd.s32 s6;
	_ =	sdelay $0x1  }
0xa7: {  	s23 =	simm.s32 $0x1B8B  }
0xa8: {  	_ =	swait.ge [sflag:s23], $0x1  }
0xa9: {  	[sflag:s23] =	ssyncset.done $0x0  }
0xaa: {  	s25 =	simm.s32 $0x1B8E;
	s24 =	sld [smem:$0x3FFE];
	[sflag:s23] =	ssyncadd.s32 $0xFFFFFFFF  }
0xab: {  	s26 =	simm.s32 $execute0_lowered;
	[smem:$0x3FD2] =	sst s25  }
0xac: {  	s7 =	sshll.u32 s26, $0x1;
	_ =	strace $0x80000046;
	[dreg:$0x1] =	wrdreg $0xFFFFFFFF  }
0xad: {  	s28 =	simm.s32 $_size_execute0_lowered;
	s5 =	sadd.s32 s5, s7;
	[dreg:$0x0] =	wrdreg $0x0  }
0xae: {  	s7 =	sshll.u32 s28, $0x1;
	[dreg:$0x2] =	wrdreg s5  }
0xaf: {  	[dreg:$0x3] =	wrdreg s7  }
0xb0: {  	[dreg:$0x4] =	wrdreg $0xC0  }
0xb1: {  	_ =	task [dreg:s9], $0x5FFFF  }
0xb2: {  	[dreg:$0x1] =	wrdreg $0xFFFFFFFF  }
0xb3: {  	[dreg:$0x0] =	wrdreg $0x60  }
0xb4: {  	[dreg:$0x2] =	wrdreg s15  }
0xb5: {  	[dreg:$0x3] =	wrdreg s17  }
0xb6: {  	[dreg:$0x4] =	wrdreg s24  }
0xb7: {  	[dreg:$0x5] =	wrdreg s16  }
0xb8: {  	[dreg:$0x6] =	wrdreg $0xA5000  }
0xb9: {  	[dreg:$0x7] =	wrdreg $0x9  }
0xba: {  	_ =	task.clear_ibuf [dreg:s9], $0x8FFFF;
	_ =	strace $0x90000046  }
0xbb: {  	s29 =	simm.s32 $0x9;
	_ =	strace $0x80000048  }
0xbc: {  	_ =	swait.ge [sflag:s29], $0x1  }
0xbd: {  	[sflag:s29] =	ssyncadd.s32 $0xFFFFFFFF  }
0xbe: {  	_ =	strace $0x90000048  }
0xbf: {  	_ =	sfence  }
0xc0: {  	s30 =	sld [smem:$0x0];
	_ =	sdelay $0x2  }
0xc1: {  	s31 =	sshll.u32 s1, $0xD;
	s1 =	sshrl.u32 s1, $0x2  }
0xc2: {  	s3 =	sand.u32 $0x4000, s31;
	s1 =	sadd.s32 s1, s30  }
0xc3: {  	s0 =	sor.u32 s3, s0;
	s1 =	sshll.u32 s1, $0x11  }
0xc4: {  	s0 =	sor.u32 s1, s0  }
0xc5: {  	s0 =	sadd.s32 $0x8F2B, s0  }
0xc6: {  	[sflag:s0] =	ssyncadd.remote.s32 $0x1  }
0xc7: {  	_ =	sfence.sel $0xFFFF  }
0xc8: {  	[dreg:$0x0] =	wrdreg $0xFFFFFFFF;
	(pc) =	sbr.abs _section_cstart, $3  }
0xc9: {  	[dreg:$0x1] =	wrdreg $0xFFFFFFFF  }
0xca: {  	_ =	task.clear_ibuf [dreg:s9], $0x2FFFF;
	_ =	strace $0x9FFFFFFF  }
0xcb: {  	(tm) =	ssettm $0x7FFFFFFF  }
tec
execute0_lowered:
.L_overlay_start_1:
0x0: {  	(tag) =	ssettag $0x1  }
0x1: {  	s0 =	rddreg [dreg:$0x0]  }
0x2: {  	s1 =	rddreg [dreg:$0x1]  }
0x3: {  	s4 =	rddreg [dreg:$0x2]  }
0x4: {  	s2 =	srdreg.scid;
	s18 =	stileid.u32  }
0x5: {  	s19 =	rddreg [dreg:$0x3];
	s5 =	smul.u32 $0x13880, s18  }
0x6: {  	s3 =	simm.s32 $0x0;
	s21 =	simm.s32 $0x5;
	s9 =	smul.u32 $0x4E200, s18  }
0x7: {  	s22 =	simm.s32 $0x6680;
	s14 =	sand.u32 $0x1, s2;
	s17 =	smul.u32 $0x2710, s18  }
0x8: {  	s28 =	simm.s32 $0x4;
	s2 =	rddreg [dreg:$0x4];
	s6 =	smul.u32 $0x138800, s14  }
0x9: {  	s31 =	simm.s32 $0x0;
	[smem:$0x7FF] =	sst s3;
	s16 =	smul.u32 $0x27100, s14  }
0xa: {  	_ =	strace $0x80000047;
	s8 =	sshll.u32 s14, $0x4;
	s29 =	smul.u32 $0x271000, s14  }
0xb: {  	s7 =	ssub.s32 $0x2, s14;
	s8 =	sor.u32 s18, s8;
	s18 =	smul.u32 $0x27100, s18  }
0xc: {  	s23 =	sshrl.u32 s7, $0x1;
	s24 =	sshrl.u32 s9, $0x2;
	s25 =	smul.u32 $0x500, s8  }
0xd: {  	s6 =	sadd.s32 s5, s6;
	s13 =	ssub.s32 s7, s23;
	s11 =	smul.u32 $0x138800, s8  }
0xe: {  	s10 =	sadd.s32 s24, s2;
	s15 =	smul.u32 $0x27100, s8;
	s26 =	sadd.s32 s17, s16  }
0xf: {  	s20 =	sadd.s32 s29, s19;
	s23 =	simm.s32 $0x1;
	s24 =	simm.s32 $0x7D  }
0x10: {  	s6 =	sshrl.u32 s6, $0x3;
	s7 =	sadd.s32 $0xBB80, s10;
	s8 =	sadd.s32 $0xFA00, s10  }
0x11: {  	s13 =	smax.u32 s13, $0x1;
	s18 =	sadd.s32 s18, s20;
	s20 =	simm.s32 $0x2800  }
0x12: {  	s12 =	sadd.s32 s6, s4;
	s4 =	sadd.s32 s5, s2;
	s5 =	sadd.s32 $0x3E80, s10  }
0x13: {  	s6 =	sadd.s32 $0x7D00, s10;
	s11 =	sshrl.u32 s11, $0x3;
	s9 =	sadd.s32 s1, s25  }
0x14: {  	s10 =	sadd.s32 s0, s15;
	s15 =	sadd.s32 s19, s15;
	s1 =	sshll.u32 s26, $0x4  }
0x15: {  	s25 =	simm.s32 $0x3;
	s26 =	simm.s32 $0x2;
	s11 =	sadd.s32 s0, s11  }
0x16: {  	s12 =	sadd.s32 $0x2000, s12;
	s14 =	sadd.s32 $0x26160, s15;
	s0 =	sadd.s32 s0, s1  }
0x17: {  	s15 =	sadd.s32 $0x26930, s15;
	s30 =	sadd.s32 s19, s1;
	s11 =	sadd.s32 $0x7D0, s11  }
0x18: {  	v0 =	vimm.f32 $0.0e+00;
	s16 =	sadd.s32 $0x1770, s0;
	s17 =	sadd.s32 $0xFA0, s0;
	s19 =	sadd.s32 $0x7D0, s30  }
.LBB2_1:
0x19: {  	s0 =	simm.s32 $0x0;
	s1 =	simm.s32 $0x200  }
.LBB2_2:
0x1a: {  	p0 =	sne.s32 s1, $0xF800;
	[tilespmem:s0+$0x2870] =	vst v0  }
0x1b: {  	[tilespmem:s0+$0x2800] =	vst v0  }
0x1c: {  	[tilespmem:s0+$0x2810] =	vst v0  }
.Ltmp0:
0x1d: {  	[tilespmem:s0+$0x2820] =	vst v0;
	(pc) =	sbr.rel @p0 .LBB2_2-.Ltmp0, $4  }
0x1e: {  	[tilespmem:s0+$0x2830] =	vst v0  }
0x1f: {  	[tilespmem:s0+$0x2840] =	vst v0  }
0x20: {  	[tilespmem:s0+$0x2850] =	vst v0  }
0x21: {  	[tilespmem:s0+$0x2860] =	vst v0;
	s0 =	sshra.s32 s1, $0x2;
	s1 =	sadd.s32 $0x200, s1  }
0x22: {  	[tilespmem:s0+$0x2870] =	vst v0  }
0x23: {  	[tilespmem:s0+$0x2800] =	vst v0  }
0x24: {  	[tilespmem:s0+$0x2810] =	vst v0  }
0x25: {  	[tilespmem:s0+$0x2820] =	vst v0  }
0x26: {  	[tilespmem:s0+$0x2830] =	vst v0  }
0x27: {  	[tilespmem:s0+$0x2840] =	vst v0  }
0x28: {  	[tilespmem:s0+$0x2850] =	vst v0  }
0x29: {  	[tilespmem:s0+$0x2860] =	vst v0  }
0x2a: {  	[spmem:s4] =	stream.linear.scatter [tilespmem:s20], [sflag:$0x5], $0x3E80, $0x38;
	[tilespmem:$0x1DD80] =	vst v63  }
0x2b: {  	_ =	swait.ge [sflag:s21], $0x3E80  }
0x2c: {  	[sflag:s21] =	ssyncset.done $0x0  }
0x2d: {  	[sflag:s21] =	ssyncadd.s32 $0xFFFFC180  }
0x2e: {  	[spmem:s5] =	stream.linear.scatter [tilespmem:s20], [sflag:$0x5], $0x3E80, $0x38;
	[tilespmem:$0x1DD80] =	vst v63  }
0x2f: {  	_ =	swait.ge [sflag:s21], $0x3E80  }
0x30: {  	[sflag:s21] =	ssyncset.done $0x0  }
0x31: {  	[sflag:s21] =	ssyncadd.s32 $0xFFFFC180  }
0x32: {  	[spmem:s6] =	stream.linear.scatter [tilespmem:s20], [sflag:$0x5], $0x3E80, $0x38;
	[tilespmem:$0x1DD80] =	vst v63  }
0x33: {  	_ =	swait.ge [sflag:s21], $0x3E80  }
0x34: {  	[sflag:s21] =	ssyncset.done $0x0  }
0x35: {  	[sflag:s21] =	ssyncadd.s32 $0xFFFFC180  }
0x36: {  	[spmem:s7] =	stream.linear.scatter [tilespmem:s20], [sflag:$0x5], $0x3E80, $0x38;
	[tilespmem:$0x1DD80] =	vst v63  }
0x37: {  	_ =	swait.ge [sflag:s21], $0x3E80  }
0x38: {  	[sflag:s21] =	ssyncset.done $0x0  }
0x39: {  	[sflag:s21] =	ssyncadd.s32 $0xFFFFC180  }
0x3a: {  	[spmem:s8] =	stream.linear.scatter [tilespmem:s20], [sflag:$0x5], $0x3E80, $0x38;
	[tilespmem:$0x1DD80] =	vst v63  }
0x3b: {  	_ =	swait.ge [sflag:s21], $0x3E80  }
0x3c: {  	[sflag:s21] =	ssyncset.done $0x0  }
0x3d: {  	[sflag:s21] =	ssyncadd.s32 $0xFFFFC180  }
0x3e: {  	s30 =	simm.s32 $0x0;
	[bflag:$0x0] =	sbarrier.arrive $0xFFFF  }
0x3f: {  	[tilespmem:s30], [sflag:$0x5] =	stream.linear.gather [hbm4b:s9+s30], $0x2800, $0x38;
	[tilespmem:$0x1DD80] =	vst v63  }
0x40: {  	_ =	swait.ge [sflag:s21], $0x2800  }
0x41: {  	[sflag:s21] =	ssyncset.done $0x0  }
0x42: {  	[sflag:s21] =	ssyncadd.s32 $0xFFFFD800  }
0x43: {  	[tilespmem:s20], [sflag:$0x1] =	stream.linear.gather [hbm4b:s10+s30], $0x3E80, $0x38;
	[tilespmem:$0x1DD80] =	vst v63  }
0x44: {  	_ = 	snop  }
0x45: {  	[tilespmem:s22], [sflag:$0x2] =	stream.linear.gather [hbm4b:s11+s30], $0x3E80, $0x38;
	[tilespmem:$0x1DD80] =	vst v63  }
0x46: {  	_ =	swait.ge [sflag:s23], $0x3E80  }
0x47: {  	[sflag:s23] =	ssyncset.done $0x0  }
0x48: {  	s1 =	sadd.s32 $0x0, s18;
	[sflag:s23] =	ssyncadd.s32 $0xFFFFC180  }
0x49: {  	[hbm4b:s1+s3] =	stream.linear.scatter [tilespmem:s20], [sflag:$0x3], $0x3E80, $0x38;
	[tilespmem:$0x1DD80] =	vst v63  }
0x4a: {  	_ = 	snop  }
0x4b: {  	[spmem:s2] =	stream.indirect.scatter.add.f32 [tilespmem:s20], [sflag:$0x5], $0x80, s30, s24, $0xb8;
	[tilespmem:$0x1DD80] =	vst v63  }
0x4c: {  	_ =	swait.ge [sflag:s21], $0x3E80  }
0x4d: {  	[sflag:s21] =	ssyncset.done $0x0  }
0x4e: {  	[sflag:s21] =	ssyncadd.s32 $0xFFFFC180  }
0x4f: {  	_ =	swait.ge [sflag:s25], $0x3E80  }
0x50: {  	[sflag:s25] =	ssyncset.done $0x0  }
0x51: {  	s30 =	sadd.s32 $0x0, s17;
	[sflag:s25] =	ssyncadd.s32 $0xFFFFC180  }
0x52: {  	[tilespmem:s20], [sflag:$0x1] =	stream.linear.gather [hbm4b:s30+s3], $0x3E80, $0x38;
	[tilespmem:$0x1DD80] =	vst v63  }
0x53: {  	_ =	swait.ge [sflag:s26], $0x3E80  }
0x54: {  	[sflag:s26] =	ssyncset.done $0x0  }
0x55: {  	s1 =	sadd.s32 $0x0, s19;
	[sflag:s26] =	ssyncadd.s32 $0xFFFFC180  }
0x56: {  	[hbm4b:s1+s3] =	stream.linear.scatter [tilespmem:s22], [sflag:$0x4], $0x3E80, $0x38;
	[tilespmem:$0x1DD80] =	vst v63  }
0x57: {  	s30 =	simm.s32 $0x80  }
0x58: {  	[spmem:s2] =	stream.indirect.scatter.add.f32 [tilespmem:s22], [sflag:$0x5], $0x80, s30, s24, $0xb8;
	[tilespmem:$0x1DD80] =	vst v63  }
0x59: {  	_ =	swait.ge [sflag:s21], $0x3E80  }
0x5a: {  	[sflag:s21] =	ssyncset.done $0x0  }
0x5b: {  	[sflag:s21] =	ssyncadd.s32 $0xFFFFC180  }
0x5c: {  	_ =	swait.ge [sflag:s28], $0x3E80  }
0x5d: {  	s29 =	sadd.s32 $0x0, s16;
	[sflag:s28] =	ssyncset.done $0x0  }
0x5e: {  	s0 =	simm.s32 $0x100;
	s1 =	simm.s32 $0xFA0;
	[sflag:s28] =	ssyncadd.s32 $0xFFFFC180  }
.LBB2_4:
0x5f: {  	[tilespmem:s22], [sflag:$0x2] =	stream.linear.gather [hbm4b:s29+s3], $0x3E80, $0x38;
	[tilespmem:$0x1DD80] =	vst v63  }
0x60: {  	s29 =	smov.u32 s1  }
0x61: {  	p0 =	sne.s32 s1, $0x251C0;
	s1 =	sadd.s32 $0xFA0, s1;
	_ =	swait.ge [sflag:s23], $0x3E80  }
0x62: {  	[sflag:s23] =	ssyncset.done $0x0  }
0x63: {  	s30 =	sadd.s32 s29, s18;
	[sflag:s23] =	ssyncadd.s32 $0xFFFFC180  }
0x64: {  	[hbm4b:s30+s3] =	stream.linear.scatter [tilespmem:s20], [sflag:$0x3], $0x3E80, $0x38;
	[tilespmem:$0x1DD80] =	vst v63  }
0x65: {  	_ = 	snop  }
0x66: {  	[spmem:s2] =	stream.indirect.scatter.add.f32 [tilespmem:s20], [sflag:$0x5], $0x80, s0, s24, $0xb8;
	[tilespmem:$0x1DD80] =	vst v63  }
0x67: {  	_ =	swait.ge [sflag:s21], $0x3E80  }
0x68: {  	[sflag:s21] =	ssyncset.done $0x0  }
0x69: {  	[sflag:s21] =	ssyncadd.s32 $0xFFFFC180  }
0x6a: {  	_ =	swait.ge [sflag:s25], $0x3E80  }
0x6b: {  	[sflag:s25] =	ssyncset.done $0x0  }
0x6c: {  	s30 =	sadd.s32 s29, s17;
	[sflag:s25] =	ssyncadd.s32 $0xFFFFC180  }
0x6d: {  	[tilespmem:s20], [sflag:$0x1] =	stream.linear.gather [hbm4b:s30+s3], $0x3E80, $0x38;
	[tilespmem:$0x1DD80] =	vst v63  }
0x6e: {  	_ =	swait.ge [sflag:s26], $0x3E80  }
0x6f: {  	[sflag:s26] =	ssyncset.done $0x0  }
0x70: {  	s30 =	sadd.s32 s29, s19;
	[sflag:s26] =	ssyncadd.s32 $0xFFFFC180  }
0x71: {  	[hbm4b:s30+s3] =	stream.linear.scatter [tilespmem:s22], [sflag:$0x4], $0x3E80, $0x38;
	[tilespmem:$0x1DD80] =	vst v63  }
0x72: {  	s30 =	sadd.s32 $0x80, s0  }
0x73: {  	[spmem:s2] =	stream.indirect.scatter.add.f32 [tilespmem:s22], [sflag:$0x5], $0x80, s30, s24, $0xb8;
	[tilespmem:$0x1DD80] =	vst v63  }
0x74: {  	_ =	swait.ge [sflag:s21], $0x3E80  }
.Ltmp1:
0x75: {  	[sflag:s21] =	ssyncset.done $0x0;
	(pc) =	sbr.rel @p0 .LBB2_4-.Ltmp1, $4  }
0x76: {  	[sflag:s21] =	ssyncadd.s32 $0xFFFFC180  }
0x77: {  	_ =	swait.ge [sflag:s28], $0x3E80  }
0x78: {  	[sflag:s28] =	ssyncset.done $0x0  }
0x79: {  	s29 =	sadd.s32 s29, s16;
	s0 =	sadd.s32 $0x100, s0;
	[sflag:s28] =	ssyncadd.s32 $0xFFFFC180  }
0x7a: {  	[tilespmem:s22], [sflag:$0x2] =	stream.linear.gather [hbm4b:s29+s3], $0x3E80, $0x38;
	[tilespmem:$0x1DD80] =	vst v63  }
0x7b: {  	_ =	swait.ge [sflag:s23], $0x3E80  }
0x7c: {  	[sflag:s23] =	ssyncset.done $0x0  }
0x7d: {  	[sflag:s23] =	ssyncadd.s32 $0xFFFFC180  }
0x7e: {  	[hbm4b:s14+s3] =	stream.linear.scatter [tilespmem:s20], [sflag:$0x3], $0x3E80, $0x38;
	[tilespmem:$0x1DD80] =	vst v63  }
0x7f: {  	s0 =	simm.s32 $0x2700  }
0x80: {  	[spmem:s2] =	stream.indirect.scatter.add.f32 [tilespmem:s20], [sflag:$0x5], $0x80, s0, s24, $0xb8;
	[tilespmem:$0x1DD80] =	vst v63  }
0x81: {  	_ =	swait.ge [sflag:s21], $0x3E80  }
0x82: {  	[sflag:s21] =	ssyncset.done $0x0  }
0x83: {  	[sflag:s21] =	ssyncadd.s32 $0xFFFFC180  }
0x84: {  	_ =	swait.ge [sflag:s26], $0x3E80  }
0x85: {  	[sflag:s26] =	ssyncset.done $0x0  }
0x86: {  	[sflag:s26] =	ssyncadd.s32 $0xFFFFC180  }
0x87: {  	[hbm4b:s15+s3] =	stream.linear.scatter [tilespmem:s22], [sflag:$0x4], $0x3E80, $0x38;
	[tilespmem:$0x1DD80] =	vst v63  }
0x88: {  	s29 =	simm.s32 $0x2780  }
0x89: {  	[spmem:s2] =	stream.indirect.scatter.add.f32 [tilespmem:s22], [sflag:$0x5], $0x80, s29, s24, $0xb8;
	[tilespmem:$0x1DD80] =	vst v63  }
0x8a: {  	_ =	swait.ge [sflag:s21], $0x3E80  }
0x8b: {  	[sflag:s21] =	ssyncset.done $0x0  }
0x8c: {  	[sflag:s21] =	ssyncadd.s32 $0xFFFFC180  }
0x8d: {  	_ =	swait.ge [sflag:s25], $0x3E80  }
0x8e: {  	[sflag:s25] =	ssyncset.done $0x0  }
0x8f: {  	[sflag:s25] =	ssyncadd.s32 $0xFFFFC180  }
0x90: {  	s30 =	stileid.u32;
	_ =	swait.ge [sflag:s28], $0x3E80  }
0x91: {  	s1 =	sshrl.u32 s4, $0x3;
	s31 =	sadd.s32 $0x1, s31;
	[sflag:s28] =	ssyncset.done $0x0  }
0x92: {  	p0 =	sne.s32 s31, s13;
	s0 =	sshll.u32 s30, $0x6;
	[sflag:s28] =	ssyncadd.s32 $0xFFFFC180  }
.Ltmp2:
0x93: {  	s0 =	sor.u32 $0x1C05, s0;
	[bflag:$0x0] =	sbarrier.arrive $0xFFFF;
	(pc) =	sbr.rel @p0 .LBB2_1-.Ltmp2, $4  }
0x94: {  	[hbm:s12], [sflag:s0] =	dma.local [spmem:s1], $0x2710  }
0x95: {  	_ =	swait.ge [sflag:s21], $0x2710  }
0x96: {  	[sflag:s21] =	ssyncset.done $0x0  }
0x97: {  	[sflag:s21] =	ssyncadd.s32 $0xFFFFD8F0  }
0x98: {  	_ =	sfence.sel $0x180000  }
0x99: {  	[bflag:$0x0] =	sbarrier.arrive $0xFFFF  }
0x9a: {  	_ =	strace $0x90000047  }
0x9b: {  	s0 =	stileid.u32;
	[bflag:$0x2] =	sbarrier.arrive $0xFFFF  }
0x9c: {  	p0 =	sne.s32 s0, $0x0;
	s0 =	rddreg [dreg:$0x5]  }
0x9d: {  	s0 =	sadd.s32 @!p0 $0x100000, s0  }
0x9e: {  	[sflag:s0] =	ssyncadd.tile.s32 @!p0 $0x1;
	_ =	shalt  }
.Lfunc_end2:
_tile_overlayer_lowered:
.L_overlay_start_2:
0x9f: {  	(tag) =	ssettag $0x2  }
0xa0: {  	s0 =	rddreg [dreg:$0x0];
	s2 =	stileid.u32  }
0xa1: {  	s1 =	rddreg [dreg:$0x1];
	p0 =	sne.s32 s2, $0x0  }
0xa2: {  	s3 =	rddreg [dreg:$0x2];
	[bflag:$0x3] =	sbarrier.arrive $0xFFFF;
	s2 =	simm.s32 @!p0 $0x1C05  }
0xa3: {  	[timem:s3], [sflag:s2] =	dma.local @!p0 [hbm:s0], s1  }
0xa4: {  	s0 =	simm.s32 @!p0 $0x5  }
0xa5: {  	_ =	swait.ge @!p0 [sflag:s0], s1  }
0xa6: {  	s1 =	ssub.s32 @!p0 $0x0, s1;
	[sflag:s0] =	ssyncset.done @!p0 $0x0  }
0xa7: {  	[sflag:s0] =	ssyncadd.s32 @!p0 s1  }
0xa8: {  	[bflag:$0x3] =	sbarrier.arrive $0xFFFF  }
0xa9: {  	_ =	shalt  }

</sc_bundles>
